<compile_context>
chip_gen: v7x
topology: tpu7x:2x2x1
jax: 0.10.2.dev20260603
libtpu: 0.0.44.dev20260713+nightly
codegen_flags: <defaults>
</compile_context>

<pallas_src>
import functools

import jax
import jax.numpy as jnp
from jax import lax
from jax.experimental import pallas as pl
from jax.experimental.pallas import tpu as pltpu
from jax.experimental.pallas import tpu_sc as plsc

N_CODES = 8192
EMB_D = 256
N_TOKENS = 8192
BR = 2048
COMMIT = 0.25

NW = 32
ROWS_PER_W = N_TOKENS // NW
GCH = 128


CH = 1024


def _dist_argmin_body(flat2_ref, srow_ref, e_ref, se_ref, fio_ref,
                      idx_ref, dsum_ref):
    i = pl.program_id(0)
    flat2 = flat2_ref[...]
    srow = srow_ref[...]
    big = float(2 * N_CODES)
    HC = N_CODES // 2
    half_v, half_f = [], []
    for h in range(2):
        rv = rf = None
        for c in range(HC // CH):
            j0 = h * HC + c * CH
            e_c = e_ref[pl.ds(j0, CH), :]
            m2 = lax.dot_general(flat2, e_c, (((1,), (1,)), ((), ())),
                                 preferred_element_type=jnp.float32)
            dist = (srow + se_ref[:, pl.ds(j0, CH)]) - m2
            cv = jnp.min(dist, axis=1, keepdims=True)
            cf = jnp.min(jnp.where(dist == cv, fio_ref[:, pl.ds(j0, CH)],
                                   big), axis=1, keepdims=True)
            if rv is None:
                rv, rf = cv, cf
            else:
                t = cv < rv
                rv = jnp.where(t, cv, rv)
                rf = jnp.where(t, cf, rf)
        half_v.append(rv)
        half_f.append(rf)
    v1b = half_v[0].astype(jnp.bfloat16).astype(jnp.float32)
    take1 = v1b <= half_v[1]
    idx = jnp.where(take1[:, 0], half_f[0][:, 0],
                    half_f[1][:, 0]).astype(jnp.int32)
    idx_ref[0, 0, :] = idx
    minval = jnp.where(take1, half_v[0], half_v[1])
    bsum = jnp.full((1, 128), jnp.sum(minval), jnp.float32)

    @pl.when(i == 0)
    def _():
        dsum_ref[...] = jnp.zeros((1, 128), jnp.float32)

    dsum_ref[...] += bsum


@functools.lru_cache(maxsize=1)
def _make_sc_gather():
    mesh = plsc.VectorSubcoreMesh(core_axis_name="c", subcore_axis_name="s",
                                  num_cores=2, num_subcores=16)

    @functools.partial(
        pl.kernel,
        out_type=jax.ShapeDtypeStruct((N_TOKENS, EMB_D), jnp.float32),
        mesh=mesh,
        scratch_types=[
            pltpu.VMEM((GCH,), jnp.int32),
            pltpu.VMEM((GCH,), jnp.int32),
            pltpu.VMEM((GCH, EMB_D), jnp.float32),
            pltpu.VMEM((GCH, EMB_D), jnp.float32),
            pltpu.SemaphoreType.DMA,
            pltpu.SemaphoreType.DMA,
        ],
    )
    def _sc_gather(table_hbm, idx_hbm, out_hbm, idx_v0, idx_v1,
                   rows_v0, rows_v1, sem0, sem1):
        wid = lax.axis_index("s") * 2 + lax.axis_index("c")
        base = wid * ROWS_PER_W
        idx_vs = (idx_v0, idx_v1)
        rows_vs = (rows_v0, rows_v1)
        sems = (sem0, sem1)
        n_ch = ROWS_PER_W // GCH
        for j in range(n_ch):
            pltpu.sync_copy(idx_hbm.at[pl.ds(base + j * GCH, GCH)],
                            idx_vs[j % 2])
            pltpu.async_copy(table_hbm.at[idx_vs[j % 2]], rows_vs[j % 2],
                             sems[j % 2])
        for j in range(n_ch):
            pltpu.make_async_copy(table_hbm.at[idx_vs[j % 2]], rows_vs[j % 2],
                                  sems[j % 2]).wait()
            pltpu.sync_copy(rows_vs[j % 2],
                            out_hbm.at[pl.ds(base + j * GCH, GCH)])

    return _sc_gather


def kernel(x, emb):
    B, D, T, H, W = x.shape
    x_dtype = x.dtype
    x32 = x.astype(jnp.float32)
    x_flat = jnp.transpose(x32, (0, 2, 3, 4, 1))
    flat = x_flat.reshape(-1, D)
    e = emb.astype(jnp.float32)
    srow = jnp.sum(flat ** 2, axis=1, keepdims=True)
    se = jnp.sum(e ** 2, axis=1)[None, :]
    flat2_bf = (2.0 * flat).astype(jnp.bfloat16)
    e_bf = e.astype(jnp.bfloat16)

    idx3, dsum = pl.pallas_call(
        _dist_argmin_body,
        grid=(N_TOKENS // BR,),
        in_specs=[
            pl.BlockSpec((BR, D), lambda i: (i, 0)),
            pl.BlockSpec((BR, 1), lambda i: (i, 0)),
            pl.BlockSpec((N_CODES, D), lambda i: (0, 0)),
            pl.BlockSpec((1, N_CODES), lambda i: (0, 0)),
            pl.BlockSpec((1, N_CODES), lambda i: (0, 0)),
        ],
        out_specs=[
            pl.BlockSpec((1, 1, BR), lambda i: (i, 0, 0)),
            pl.BlockSpec((1, 128), lambda i: (0, 0)),
        ],
        out_shape=[
            jax.ShapeDtypeStruct((N_TOKENS // BR, 1, BR), jnp.int32),
            jax.ShapeDtypeStruct((1, 128), jnp.float32),
        ],
    )(flat2_bf, srow, e_bf, se,
      jnp.arange(N_CODES, dtype=jnp.float32)[None, :])

    indices = idx3.reshape(N_TOKENS)
    quantized = _make_sc_gather()(e_bf.astype(jnp.float32), indices)

    mse = dsum[0, 0] / (N_TOKENS * D)
    vq_loss = mse + COMMIT * mse

    q5 = quantized.reshape(B, T, H, W, D)
    quantized_st = x_flat + lax.stop_gradient(q5 - x_flat)
    quantized_st = jnp.transpose(quantized_st, (0, 4, 1, 2, 3)).astype(x_dtype)
    indices_out = indices.reshape(B, T, H, W)
    return quantized_st, vq_loss, indices_out

# --- scband reference (transcript-rebuilt; emitter-appended) ---
"""Pipeline reference for scband-vector-quantizer-42339787604554 (READ-ONLY COPY).

The authoritative reference and input builder live on the scoring server;
editing this copy changes nothing except your own understanding.
"""

import jax, jax.numpy as jnp
import numpy as np

NUM_EMBEDDINGS = 8192
EMBEDDING_DIM = 256
COMMITMENT_COST = 0.25


def setup_inputs(seed: int = 0) -> dict:
    key = jax.random.key(seed)
    kx, ke = jax.random.split(key)
    x = jax.random.normal(kx, (2, 256, 4, 32, 32), dtype=jnp.float32)
    # nn.Embedding weight initialized N(0, 1/num_embeddings)
    emb = jax.random.normal(ke, (NUM_EMBEDDINGS, EMBEDDING_DIM), dtype=jnp.float32) * (1.0 / NUM_EMBEDDINGS)
    return {"x": x, "emb": emb}


def reference(x, emb):
    B, D, T, H, W = x.shape
    x_dtype = x.dtype
    x32 = x.astype(jnp.float32)
    x_flat = jnp.transpose(x32, (0, 2, 3, 4, 1))  # (B, T, H, W, D)
    flat = x_flat.reshape(-1, D)
    e = emb.astype(jnp.float32)
    dist = (jnp.sum(flat ** 2, axis=1, keepdims=True)
            + jnp.sum(e ** 2, axis=1)[None, :]
            - 2.0 * flat @ e.T)
    indices = jnp.argmin(dist, axis=1)
    encodings = jax.nn.one_hot(indices, NUM_EMBEDDINGS, dtype=jnp.float32)
    quantized = encodings @ e
    quantized = quantized.reshape(B, T, H, W, D)
    codebook_loss = jnp.mean((quantized - jax.lax.stop_gradient(x_flat)) ** 2)
    commit_loss = jnp.mean((jax.lax.stop_gradient(quantized) - x_flat) ** 2)
    vq_loss = codebook_loss + COMMITMENT_COST * commit_loss
    quantized_st = x_flat + jax.lax.stop_gradient(quantized - x_flat)
    indices_out = indices.reshape(B, T, H, W)
    quantized_st = jnp.transpose(quantized_st, (0, 4, 1, 2, 3)).astype(x_dtype)
    return quantized_st, vq_loss, indices_out

if __name__ == "__main__":
    import jax
    _d = setup_inputs()
    print(jax.jit(kernel)(*tuple(_d.values())))

</pallas_src>

<mosaic_0001>
#map = affine_map<(d0, d1) -> (0, 0)>
#map1 = affine_map<(d0, d1) -> (0)>
module attributes {stable_mosaic.version = 14 : i64} {
  func.func @_sc_gather(%arg0: i32, %arg1: i32, %arg2: memref<8192x256xf32, #tpu.memory_space<hbm>>, %arg3: memref<8192xi32, #tpu.memory_space<hbm>>, %arg4: memref<8192x256xf32, #tpu.memory_space<hbm>>, %arg5: memref<128xi32, #tpu.memory_space<vmem>>, %arg6: memref<128xi32, #tpu.memory_space<vmem>>, %arg7: memref<128x256xf32, #tpu.memory_space<vmem>>, %arg8: memref<128x256xf32, #tpu.memory_space<vmem>>, %arg9: memref<!tpu.dma_semaphore, #tpu.memory_space<semaphore_mem>>, %arg10: memref<!tpu.dma_semaphore, #tpu.memory_space<semaphore_mem>>) attributes {dimension_semantics = [#tpu.dimension_semantics<core_parallel>, #tpu.dimension_semantics<subcore_parallel>], iteration_bounds = array<i64: 2, 16>, scalar_prefetch = 0 : i64, scratch_operands = 6 : i64, tpu.core_type = #tpu.core_type<sc_vector_subcore>, window_params = [{transform_indices = #map}, {transform_indices = #map1}, {transform_indices = #map}]} {
    %mul3A = arith.constant 2 : i32
    %mul3A_0 = arith.muli %arg1, %mul3A : i32
    %add3A = arith.addi %mul3A_0, %arg0 : i32
    %mul3A_1 = arith.constant 256 : i32
    %mul3A_2 = arith.muli %add3A, %mul3A_1 : i32
    %add3A_3 = arith.constant 0 : i32
    %add3A_4 = arith.addi %mul3A_2, %add3A_3 : i32
    "tpu.region"() ({
      %run_scoped3A = tpu.sem_alloc : memref<!tpu.dma_semaphore, #tpu.memory_space<semaphore_mem>>
      %dma_start3A_21 = tpu.memref_slice %arg3[%add3A_4] : memref<8192xi32, #tpu.memory_space<hbm>> -> memref<128xi32, #tpu.memory_space<hbm>>
      %dma_start3A_22 = tpu.memref_slice %arg3[%add3A_4] : memref<8192xi32, #tpu.memory_space<hbm>> -> memref<128xi32, #tpu.memory_space<hbm>>
      tpu.enqueue_dma source(%dma_start3A_22 : memref<128xi32, #tpu.memory_space<hbm>>) target(%arg5 : memref<128xi32, #tpu.memory_space<vmem>>) target_semaphore(%run_scoped3A : memref<!tpu.dma_semaphore, #tpu.memory_space<semaphore_mem>>)
      %dma_wait3A_23 = tpu.memref_slice %arg3[%add3A_4] : memref<8192xi32, #tpu.memory_space<hbm>> -> memref<128xi32, #tpu.memory_space<hbm>>
      %dma_wait3A_24 = tpu.memref_slice %arg3[%add3A_4] : memref<8192xi32, #tpu.memory_space<hbm>> -> memref<128xi32, #tpu.memory_space<hbm>>
      tpu.wait_dma2 semaphore(%run_scoped3A : memref<!tpu.dma_semaphore, #tpu.memory_space<semaphore_mem>>) src(%dma_wait3A_24 : memref<128xi32, #tpu.memory_space<hbm>>) dst(%arg5 : memref<128xi32, #tpu.memory_space<vmem>>)
      tpu.yield
    }) : () -> ()
    %dma_start3A = arith.constant 0 : i32
    %dma_start3A_5 = arith.constant 0 : i32
    %dma_start3A_6 = tpu.memref_slice %arg2[%dma_start3A, %dma_start3A_5] : memref<8192x256xf32, #tpu.memory_space<hbm>> -> memref<8192x256xf32, #tpu.memory_space<hbm>>
    tpu.enqueue_indirect_dma source(%dma_start3A_6 : memref<8192x256xf32, #tpu.memory_space<hbm>>) target(%arg7 : memref<128x256xf32, #tpu.memory_space<vmem>>) offsets(%arg5 : memref<128xi32, #tpu.memory_space<vmem>>) semaphore(%arg9 : memref<!tpu.dma_semaphore, #tpu.memory_space<semaphore_mem>>)
    %add3A_7 = arith.constant 128 : i32
    %add3A_8 = arith.addi %mul3A_2, %add3A_7 : i32
    "tpu.region"() ({
      %run_scoped3A = tpu.sem_alloc : memref<!tpu.dma_semaphore, #tpu.memory_space<semaphore_mem>>
      %dma_start3A_21 = tpu.memref_slice %arg3[%add3A_8] : memref<8192xi32, #tpu.memory_space<hbm>> -> memref<128xi32, #tpu.memory_space<hbm>>
      %dma_start3A_22 = tpu.memref_slice %arg3[%add3A_8] : memref<8192xi32, #tpu.memory_space<hbm>> -> memref<128xi32, #tpu.memory_space<hbm>>
      tpu.enqueue_dma source(%dma_start3A_22 : memref<128xi32, #tpu.memory_space<hbm>>) target(%arg6 : memref<128xi32, #tpu.memory_space<vmem>>) target_semaphore(%run_scoped3A : memref<!tpu.dma_semaphore, #tpu.memory_space<semaphore_mem>>)
      %dma_wait3A_23 = tpu.memref_slice %arg3[%add3A_8] : memref<8192xi32, #tpu.memory_space<hbm>> -> memref<128xi32, #tpu.memory_space<hbm>>
      %dma_wait3A_24 = tpu.memref_slice %arg3[%add3A_8] : memref<8192xi32, #tpu.memory_space<hbm>> -> memref<128xi32, #tpu.memory_space<hbm>>
      tpu.wait_dma2 semaphore(%run_scoped3A : memref<!tpu.dma_semaphore, #tpu.memory_space<semaphore_mem>>) src(%dma_wait3A_24 : memref<128xi32, #tpu.memory_space<hbm>>) dst(%arg6 : memref<128xi32, #tpu.memory_space<vmem>>)
      tpu.yield
    }) : () -> ()
    %dma_start3A_9 = arith.constant 0 : i32
    %dma_start3A_10 = arith.constant 0 : i32
    %dma_start3A_11 = tpu.memref_slice %arg2[%dma_start3A_9, %dma_start3A_10] : memref<8192x256xf32, #tpu.memory_space<hbm>> -> memref<8192x256xf32, #tpu.memory_space<hbm>>
    tpu.enqueue_indirect_dma source(%dma_start3A_11 : memref<8192x256xf32, #tpu.memory_space<hbm>>) target(%arg8 : memref<128x256xf32, #tpu.memory_space<vmem>>) offsets(%arg6 : memref<128xi32, #tpu.memory_space<vmem>>) semaphore(%arg10 : memref<!tpu.dma_semaphore, #tpu.memory_space<semaphore_mem>>)
    %dma_wait3A = arith.constant 0 : i32
    %dma_wait3A_12 = arith.constant 0 : i32
    %dma_wait3A_13 = tpu.memref_slice %arg2[%dma_wait3A, %dma_wait3A_12] : memref<8192x256xf32, #tpu.memory_space<hbm>> -> memref<8192x256xf32, #tpu.memory_space<hbm>>
    tpu.wait_indirect_dma semaphore(%arg9 : memref<!tpu.dma_semaphore, #tpu.memory_space<semaphore_mem>>) src(%dma_wait3A_13 : memref<8192x256xf32, #tpu.memory_space<hbm>>) dst(%arg7 : memref<128x256xf32, #tpu.memory_space<vmem>>)
    %add3A_14 = arith.constant 0 : i32
    %add3A_15 = arith.addi %mul3A_2, %add3A_14 : i32
    "tpu.region"() ({
      %run_scoped3A = tpu.sem_alloc : memref<!tpu.dma_semaphore, #tpu.memory_space<semaphore_mem>>
      %dma_start3A_21 = arith.constant 0 : i32
      %dma_start3A_22 = tpu.memref_slice %arg4[%add3A_15, %dma_start3A_21] : memref<8192x256xf32, #tpu.memory_space<hbm>> -> memref<128x256xf32, #tpu.memory_space<hbm>>
      %dma_start3A_23 = arith.constant 0 : i32
      %dma_start3A_24 = tpu.memref_slice %arg4[%add3A_15, %dma_start3A_23] : memref<8192x256xf32, #tpu.memory_space<hbm>> -> memref<128x256xf32, #tpu.memory_space<hbm>>
      tpu.enqueue_dma source(%arg7 : memref<128x256xf32, #tpu.memory_space<vmem>>) target(%dma_start3A_24 : memref<128x256xf32, #tpu.memory_space<hbm>>) target_semaphore(%run_scoped3A : memref<!tpu.dma_semaphore, #tpu.memory_space<semaphore_mem>>)
      %dma_wait3A_25 = arith.constant 0 : i32
      %dma_wait3A_26 = tpu.memref_slice %arg4[%add3A_15, %dma_wait3A_25] : memref<8192x256xf32, #tpu.memory_space<hbm>> -> memref<128x256xf32, #tpu.memory_space<hbm>>
      %dma_wait3A_27 = arith.constant 0 : i32
      %dma_wait3A_28 = tpu.memref_slice %arg4[%add3A_15, %dma_wait3A_27] : memref<8192x256xf32, #tpu.memory_space<hbm>> -> memref<128x256xf32, #tpu.memory_space<hbm>>
      tpu.wait_dma2 semaphore(%run_scoped3A : memref<!tpu.dma_semaphore, #tpu.memory_space<semaphore_mem>>) src(%arg7 : memref<128x256xf32, #tpu.memory_space<vmem>>) dst(%dma_wait3A_28 : memref<128x256xf32, #tpu.memory_space<hbm>>)
      tpu.yield
    }) : () -> ()
    %dma_wait3A_16 = arith.constant 0 : i32
    %dma_wait3A_17 = arith.constant 0 : i32
    %dma_wait3A_18 = tpu.memref_slice %arg2[%dma_wait3A_16, %dma_wait3A_17] : memref<8192x256xf32, #tpu.memory_space<hbm>> -> memref<8192x256xf32, #tpu.memory_space<hbm>>
    tpu.wait_indirect_dma semaphore(%arg10 : memref<!tpu.dma_semaphore, #tpu.memory_space<semaphore_mem>>) src(%dma_wait3A_18 : memref<8192x256xf32, #tpu.memory_space<hbm>>) dst(%arg8 : memref<128x256xf32, #tpu.memory_space<vmem>>)
    %add3A_19 = arith.constant 128 : i32
    %add3A_20 = arith.addi %mul3A_2, %add3A_19 : i32
    "tpu.region"() ({
      %run_scoped3A = tpu.sem_alloc : memref<!tpu.dma_semaphore, #tpu.memory_space<semaphore_mem>>
      %dma_start3A_21 = arith.constant 0 : i32
      %dma_start3A_22 = tpu.memref_slice %arg4[%add3A_20, %dma_start3A_21] : memref<8192x256xf32, #tpu.memory_space<hbm>> -> memref<128x256xf32, #tpu.memory_space<hbm>>
      %dma_start3A_23 = arith.constant 0 : i32
      %dma_start3A_24 = tpu.memref_slice %arg4[%add3A_20, %dma_start3A_23] : memref<8192x256xf32, #tpu.memory_space<hbm>> -> memref<128x256xf32, #tpu.memory_space<hbm>>
      tpu.enqueue_dma source(%arg8 : memref<128x256xf32, #tpu.memory_space<vmem>>) target(%dma_start3A_24 : memref<128x256xf32, #tpu.memory_space<hbm>>) target_semaphore(%run_scoped3A : memref<!tpu.dma_semaphore, #tpu.memory_space<semaphore_mem>>)
      %dma_wait3A_25 = arith.constant 0 : i32
      %dma_wait3A_26 = tpu.memref_slice %arg4[%add3A_20, %dma_wait3A_25] : memref<8192x256xf32, #tpu.memory_space<hbm>> -> memref<128x256xf32, #tpu.memory_space<hbm>>
      %dma_wait3A_27 = arith.constant 0 : i32
      %dma_wait3A_28 = tpu.memref_slice %arg4[%add3A_20, %dma_wait3A_27] : memref<8192x256xf32, #tpu.memory_space<hbm>> -> memref<128x256xf32, #tpu.memory_space<hbm>>
      tpu.wait_dma2 semaphore(%run_scoped3A : memref<!tpu.dma_semaphore, #tpu.memory_space<semaphore_mem>>) src(%arg8 : memref<128x256xf32, #tpu.memory_space<vmem>>) dst(%dma_wait3A_28 : memref<128x256xf32, #tpu.memory_space<hbm>>)
      tpu.yield
    }) : () -> ()
    return
  }
}

module attributes {stable_mosaic.version = 14 : i64} {
  func.func @_dist_argmin_body(%arg0: i32, %arg1: memref<2048x256xbf16, #tpu.memory_space<vmem>>, %arg2: memref<2048x1xf32, #tpu.memory_space<vmem>>, %arg3: memref<8192x256xbf16, #tpu.memory_space<vmem>>, %arg4: memref<1x8192xf32, #tpu.memory_space<vmem>>, %arg5: memref<1x8192xf32, #tpu.memory_space<vmem>>, %arg6: memref<1x1x2048xi32, #tpu.memory_space<vmem>>, %arg7: memref<1x128xf32, #tpu.memory_space<vmem>>) attributes {dimension_semantics = [#tpu.dimension_semantics<arbitrary>], iteration_bounds = array<i64: 4>, scalar_prefetch = 0 : i64, scratch_operands = 0 : i64, tpu.core_type = #tpu.core_type<tc>, window_params = [{transform_indices = @transform_0, window_bounds = array<i64: 2048, 256>}, {transform_indices = @transform_1, window_bounds = array<i64: 2048, 1>}, {pipeline_mode = #tpu.pipeline_mode<synchronous>, transform_indices = @transform_2, window_bounds = array<i64: 8192, 256>}, {pipeline_mode = #tpu.pipeline_mode<synchronous>, transform_indices = @transform_3, window_bounds = array<i64: 1, 8192>}, {pipeline_mode = #tpu.pipeline_mode<synchronous>, transform_indices = @transform_4, window_bounds = array<i64: 1, 8192>}, {transform_indices = @transform_5, window_bounds = array<i64: 1, 1, 2048>}, {pipeline_mode = #tpu.pipeline_mode<synchronous>, transform_indices = @transform_6, window_bounds = array<i64: 1, 128>}]} {
    %get3A = arith.constant 0 : index
    %get3A_0 = arith.constant 0 : index
    %get3A_1 = vector.load %arg1[%get3A, %get3A_0] : memref<2048x256xbf16, #tpu.memory_space<vmem>>, vector<2048x256xbf16>
    %get3A_2 = arith.constant 0 : index
    %get3A_3 = arith.constant 0 : index
    %get3A_4 = vector.load %arg2[%get3A_2, %get3A_3] : memref<2048x1xf32, #tpu.memory_space<vmem>>, vector<2048x1xf32>
    %get3A_5 = arith.constant 0 : index
    %get3A_6 = arith.constant 0 : index
    %get3A_7 = vector.load %arg3[%get3A_5, %get3A_6] : memref<8192x256xbf16, #tpu.memory_space<vmem>>, vector<1024x256xbf16>
    %dot_general3A = arith.constant dense<0.000000e+00> : vector<2048x1024xf32>
    %dot_general3A_8 = tpu.matmul %get3A_1, %get3A_7, %dot_general3A {dimension_numbers = #tpu.dot_dimension_numbers<[1], [1], [0], [0], [0, 0, 1, 0], [], []>, transpose_lhs_hint = false} : vector<2048x256xbf16>, vector<1024x256xbf16>, vector<2048x1024xf32> -> vector<2048x1024xf32>
    %get3A_9 = arith.constant 0 : index
    %get3A_10 = arith.constant 0 : index
    %get3A_11 = vector.load %arg4[%get3A_9, %get3A_10] : memref<1x8192xf32, #tpu.memory_space<vmem>>, vector<1x1024xf32>
    %add3A = vector.broadcast %get3A_4 : vector<2048x1xf32> to vector<2048x1024xf32>
    %add3A_12 = vector.broadcast %get3A_11 : vector<1x1024xf32> to vector<2048x1024xf32>
    %add3A_13 = arith.addf %add3A, %add3A_12 : vector<2048x1024xf32>
    %sub3A = arith.subf %add3A_13, %dot_general3A_8 : vector<2048x1024xf32>
    %reduce_min3A = arith.constant dense<0x7F800000> : vector<2048xf32>
    %reduce_min3A_14 = vector.multi_reduction <minimumf>, %sub3A, %reduce_min3A [1] : vector<2048x1024xf32> to vector<2048xf32>
    %broadcast_in_dim3A = vector.shape_cast %reduce_min3A_14 : vector<2048xf32> to vector<2048x1xf32>
    %eq3A = vector.broadcast %broadcast_in_dim3A : vector<2048x1xf32> to vector<2048x1024xf32>
    %eq3A_15 = arith.cmpf oeq, %sub3A, %eq3A : vector<2048x1024xf32>
    %get3A_16 = arith.constant 0 : index
    %get3A_17 = arith.constant 0 : index
    %get3A_18 = vector.load %arg5[%get3A_16, %get3A_17] : memref<1x8192xf32, #tpu.memory_space<vmem>>, vector<1x1024xf32>
    %jit3A = arith.constant 1.638400e+04 : f32
    %broadcast_in_dim3A_19 = vector.shape_cast %get3A_18 : vector<1x1024xf32> to vector<1x1024xf32>
    %broadcast_in_dim3A_20 = vector.broadcast %broadcast_in_dim3A_19 : vector<1x1024xf32> to vector<2048x1024xf32>
    %broadcast_in_dim3A_21 = vector.broadcast %jit3A : f32 to vector<2048x1024xf32>
    %select_n3A = arith.select %eq3A_15, %broadcast_in_dim3A_20, %broadcast_in_dim3A_21 : vector<2048x1024xi1>, vector<2048x1024xf32>
    %reduce_min3A_22 = arith.constant dense<0x7F800000> : vector<2048xf32>
    %reduce_min3A_23 = vector.multi_reduction <minimumf>, %select_n3A, %reduce_min3A_22 [1] : vector<2048x1024xf32> to vector<2048xf32>
    %broadcast_in_dim3A_24 = vector.shape_cast %reduce_min3A_23 : vector<2048xf32> to vector<2048x1xf32>
    %get3A_25 = arith.constant 1024 : index
    %get3A_26 = arith.constant 0 : index
    %get3A_27 = vector.load %arg3[%get3A_25, %get3A_26] : memref<8192x256xbf16, #tpu.memory_space<vmem>>, vector<1024x256xbf16>
    %dot_general3A_28 = arith.constant dense<0.000000e+00> : vector<2048x1024xf32>
    %dot_general3A_29 = tpu.matmul %get3A_1, %get3A_27, %dot_general3A_28 {dimension_numbers = #tpu.dot_dimension_numbers<[1], [1], [0], [0], [0, 0, 1, 0], [], []>, transpose_lhs_hint = false} : vector<2048x256xbf16>, vector<1024x256xbf16>, vector<2048x1024xf32> -> vector<2048x1024xf32>
    %get3A_30 = arith.constant 0 : index
    %get3A_31 = arith.constant 1024 : index
    %get3A_32 = vector.load %arg4[%get3A_30, %get3A_31] : memref<1x8192xf32, #tpu.memory_space<vmem>>, vector<1x1024xf32>
    %add3A_33 = vector.broadcast %get3A_4 : vector<2048x1xf32> to vector<2048x1024xf32>
    %add3A_34 = vector.broadcast %get3A_32 : vector<1x1024xf32> to vector<2048x1024xf32>
    %add3A_35 = arith.addf %add3A_33, %add3A_34 : vector<2048x1024xf32>
    %sub3A_36 = arith.subf %add3A_35, %dot_general3A_29 : vector<2048x1024xf32>
    %reduce_min3A_37 = arith.constant dense<0x7F800000> : vector<2048xf32>
    %reduce_min3A_38 = vector.multi_reduction <minimumf>, %sub3A_36, %reduce_min3A_37 [1] : vector<2048x1024xf32> to vector<2048xf32>
    %broadcast_in_dim3A_39 = vector.shape_cast %reduce_min3A_38 : vector<2048xf32> to vector<2048x1xf32>
    %eq3A_40 = vector.broadcast %broadcast_in_dim3A_39 : vector<2048x1xf32> to vector<2048x1024xf32>
    %eq3A_41 = arith.cmpf oeq, %sub3A_36, %eq3A_40 : vector<2048x1024xf32>
    %get3A_42 = arith.constant 0 : index
    %get3A_43 = arith.constant 1024 : index
    %get3A_44 = vector.load %arg5[%get3A_42, %get3A_43] : memref<1x8192xf32, #tpu.memory_space<vmem>>, vector<1x1024xf32>
    %jit3A_45 = arith.constant 1.638400e+04 : f32
    %broadcast_in_dim3A_46 = vector.shape_cast %get3A_44 : vector<1x1024xf32> to vector<1x1024xf32>
    %broadcast_in_dim3A_47 = vector.broadcast %broadcast_in_dim3A_46 : vector<1x1024xf32> to vector<2048x1024xf32>
    %broadcast_in_dim3A_48 = vector.broadcast %jit3A_45 : f32 to vector<2048x1024xf32>
    %select_n3A_49 = arith.select %eq3A_41, %broadcast_in_dim3A_47, %broadcast_in_dim3A_48 : vector<2048x1024xi1>, vector<2048x1024xf32>
    %reduce_min3A_50 = arith.constant dense<0x7F800000> : vector<2048xf32>
    %reduce_min3A_51 = vector.multi_reduction <minimumf>, %select_n3A_49, %reduce_min3A_50 [1] : vector<2048x1024xf32> to vector<2048xf32>
    %broadcast_in_dim3A_52 = vector.shape_cast %reduce_min3A_51 : vector<2048xf32> to vector<2048x1xf32>
    %lt3A = arith.cmpf olt, %broadcast_in_dim3A_39, %broadcast_in_dim3A : vector<2048x1xf32>
    %select_n3A_53 = arith.select %lt3A, %broadcast_in_dim3A_39, %broadcast_in_dim3A : vector<2048x1xi1>, vector<2048x1xf32>
    %select_n3A_54 = arith.select %lt3A, %broadcast_in_dim3A_52, %broadcast_in_dim3A_24 : vector<2048x1xi1>, vector<2048x1xf32>
    %get3A_55 = arith.constant 2048 : index
    %get3A_56 = arith.constant 0 : index
    %get3A_57 = vector.load %arg3[%get3A_55, %get3A_56] : memref<8192x256xbf16, #tpu.memory_space<vmem>>, vector<1024x256xbf16>
    %dot_general3A_58 = arith.constant dense<0.000000e+00> : vector<2048x1024xf32>
    %dot_general3A_59 = tpu.matmul %get3A_1, %get3A_57, %dot_general3A_58 {dimension_numbers = #tpu.dot_dimension_numbers<[1], [1], [0], [0], [0, 0, 1, 0], [], []>, transpose_lhs_hint = false} : vector<2048x256xbf16>, vector<1024x256xbf16>, vector<2048x1024xf32> -> vector<2048x1024xf32>
    %get3A_60 = arith.constant 0 : index
    %get3A_61 = arith.constant 2048 : index
    %get3A_62 = vector.load %arg4[%get3A_60, %get3A_61] : memref<1x8192xf32, #tpu.memory_space<vmem>>, vector<1x1024xf32>
    %add3A_63 = vector.broadcast %get3A_4 : vector<2048x1xf32> to vector<2048x1024xf32>
    %add3A_64 = vector.broadcast %get3A_62 : vector<1x1024xf32> to vector<2048x1024xf32>
    %add3A_65 = arith.addf %add3A_63, %add3A_64 : vector<2048x1024xf32>
    %sub3A_66 = arith.subf %add3A_65, %dot_general3A_59 : vector<2048x1024xf32>
    %reduce_min3A_67 = arith.constant dense<0x7F800000> : vector<2048xf32>
    %reduce_min3A_68 = vector.multi_reduction <minimumf>, %sub3A_66, %reduce_min3A_67 [1] : vector<2048x1024xf32> to vector<2048xf32>
    %broadcast_in_dim3A_69 = vector.shape_cast %reduce_min3A_68 : vector<2048xf32> to vector<2048x1xf32>
    %eq3A_70 = vector.broadcast %broadcast_in_dim3A_69 : vector<2048x1xf32> to vector<2048x1024xf32>
    %eq3A_71 = arith.cmpf oeq, %sub3A_66, %eq3A_70 : vector<2048x1024xf32>
    %get3A_72 = arith.constant 0 : index
    %get3A_73 = arith.constant 2048 : index
    %get3A_74 = vector.load %arg5[%get3A_72, %get3A_73] : memref<1x8192xf32, #tpu.memory_space<vmem>>, vector<1x1024xf32>
    %jit3A_75 = arith.constant 1.638400e+04 : f32
    %broadcast_in_dim3A_76 = vector.shape_cast %get3A_74 : vector<1x1024xf32> to vector<1x1024xf32>
    %broadcast_in_dim3A_77 = vector.broadcast %broadcast_in_dim3A_76 : vector<1x1024xf32> to vector<2048x1024xf32>
    %broadcast_in_dim3A_78 = vector.broadcast %jit3A_75 : f32 to vector<2048x1024xf32>
    %select_n3A_79 = arith.select %eq3A_71, %broadcast_in_dim3A_77, %broadcast_in_dim3A_78 : vector<2048x1024xi1>, vector<2048x1024xf32>
    %reduce_min3A_80 = arith.constant dense<0x7F800000> : vector<2048xf32>
    %reduce_min3A_81 = vector.multi_reduction <minimumf>, %select_n3A_79, %reduce_min3A_80 [1] : vector<2048x1024xf32> to vector<2048xf32>
    %broadcast_in_dim3A_82 = vector.shape_cast %reduce_min3A_81 : vector<2048xf32> to vector<2048x1xf32>
    %lt3A_83 = arith.cmpf olt, %broadcast_in_dim3A_69, %select_n3A_53 : vector<2048x1xf32>
    %select_n3A_84 = arith.select %lt3A_83, %broadcast_in_dim3A_69, %select_n3A_53 : vector<2048x1xi1>, vector<2048x1xf32>
    %select_n3A_85 = arith.select %lt3A_83, %broadcast_in_dim3A_82, %select_n3A_54 : vector<2048x1xi1>, vector<2048x1xf32>
    %get3A_86 = arith.constant 3072 : index
    %get3A_87 = arith.constant 0 : index
    %get3A_88 = vector.load %arg3[%get3A_86, %get3A_87] : memref<8192x256xbf16, #tpu.memory_space<vmem>>, vector<1024x256xbf16>
    %dot_general3A_89 = arith.constant dense<0.000000e+00> : vector<2048x1024xf32>
    %dot_general3A_90 = tpu.matmul %get3A_1, %get3A_88, %dot_general3A_89 {dimension_numbers = #tpu.dot_dimension_numbers<[1], [1], [0], [0], [0, 0, 1, 0], [], []>, transpose_lhs_hint = false} : vector<2048x256xbf16>, vector<1024x256xbf16>, vector<2048x1024xf32> -> vector<2048x1024xf32>
    %get3A_91 = arith.constant 0 : index
    %get3A_92 = arith.constant 3072 : index
    %get3A_93 = vector.load %arg4[%get3A_91, %get3A_92] : memref<1x8192xf32, #tpu.memory_space<vmem>>, vector<1x1024xf32>
    %add3A_94 = vector.broadcast %get3A_4 : vector<2048x1xf32> to vector<2048x1024xf32>
    %add3A_95 = vector.broadcast %get3A_93 : vector<1x1024xf32> to vector<2048x1024xf32>
    %add3A_96 = arith.addf %add3A_94, %add3A_95 : vector<2048x1024xf32>
    %sub3A_97 = arith.subf %add3A_96, %dot_general3A_90 : vector<2048x1024xf32>
    %reduce_min3A_98 = arith.constant dense<0x7F800000> : vector<2048xf32>
    %reduce_min3A_99 = vector.multi_reduction <minimumf>, %sub3A_97, %reduce_min3A_98 [1] : vector<2048x1024xf32> to vector<2048xf32>
    %broadcast_in_dim3A_100 = vector.shape_cast %reduce_min3A_99 : vector<2048xf32> to vector<2048x1xf32>
    %eq3A_101 = vector.broadcast %broadcast_in_dim3A_100 : vector<2048x1xf32> to vector<2048x1024xf32>
    %eq3A_102 = arith.cmpf oeq, %sub3A_97, %eq3A_101 : vector<2048x1024xf32>
    %get3A_103 = arith.constant 0 : index
    %get3A_104 = arith.constant 3072 : index
    %get3A_105 = vector.load %arg5[%get3A_103, %get3A_104] : memref<1x8192xf32, #tpu.memory_space<vmem>>, vector<1x1024xf32>
    %jit3A_106 = arith.constant 1.638400e+04 : f32
    %broadcast_in_dim3A_107 = vector.shape_cast %get3A_105 : vector<1x1024xf32> to vector<1x1024xf32>
    %broadcast_in_dim3A_108 = vector.broadcast %broadcast_in_dim3A_107 : vector<1x1024xf32> to vector<2048x1024xf32>
    %broadcast_in_dim3A_109 = vector.broadcast %jit3A_106 : f32 to vector<2048x1024xf32>
    %select_n3A_110 = arith.select %eq3A_102, %broadcast_in_dim3A_108, %broadcast_in_dim3A_109 : vector<2048x1024xi1>, vector<2048x1024xf32>
    %reduce_min3A_111 = arith.constant dense<0x7F800000> : vector<2048xf32>
    %reduce_min3A_112 = vector.multi_reduction <minimumf>, %select_n3A_110, %reduce_min3A_111 [1] : vector<2048x1024xf32> to vector<2048xf32>
    %broadcast_in_dim3A_113 = vector.shape_cast %reduce_min3A_112 : vector<2048xf32> to vector<2048x1xf32>
    %lt3A_114 = arith.cmpf olt, %broadcast_in_dim3A_100, %select_n3A_84 : vector<2048x1xf32>
    %select_n3A_115 = arith.select %lt3A_114, %broadcast_in_dim3A_100, %select_n3A_84 : vector<2048x1xi1>, vector<2048x1xf32>
    %select_n3A_116 = arith.select %lt3A_114, %broadcast_in_dim3A_113, %select_n3A_85 : vector<2048x1xi1>, vector<2048x1xf32>
    %get3A_117 = arith.constant 4096 : index
    %get3A_118 = arith.constant 0 : index
    %get3A_119 = vector.load %arg3[%get3A_117, %get3A_118] : memref<8192x256xbf16, #tpu.memory_space<vmem>>, vector<1024x256xbf16>
    %dot_general3A_120 = arith.constant dense<0.000000e+00> : vector<2048x1024xf32>
    %dot_general3A_121 = tpu.matmul %get3A_1, %get3A_119, %dot_general3A_120 {dimension_numbers = #tpu.dot_dimension_numbers<[1], [1], [0], [0], [0, 0, 1, 0], [], []>, transpose_lhs_hint = false} : vector<2048x256xbf16>, vector<1024x256xbf16>, vector<2048x1024xf32> -> vector<2048x1024xf32>
    %get3A_122 = arith.constant 0 : index
    %get3A_123 = arith.constant 4096 : index
    %get3A_124 = vector.load %arg4[%get3A_122, %get3A_123] : memref<1x8192xf32, #tpu.memory_space<vmem>>, vector<1x1024xf32>
    %add3A_125 = vector.broadcast %get3A_4 : vector<2048x1xf32> to vector<2048x1024xf32>
    %add3A_126 = vector.broadcast %get3A_124 : vector<1x1024xf32> to vector<2048x1024xf32>
    %add3A_127 = arith.addf %add3A_125, %add3A_126 : vector<2048x1024xf32>
    %sub3A_128 = arith.subf %add3A_127, %dot_general3A_121 : vector<2048x1024xf32>
    %reduce_min3A_129 = arith.constant dense<0x7F800000> : vector<2048xf32>
    %reduce_min3A_130 = vector.multi_reduction <minimumf>, %sub3A_128, %reduce_min3A_129 [1] : vector<2048x1024xf32> to vector<2048xf32>
    %broadcast_in_dim3A_131 = vector.shape_cast %reduce_min3A_130 : vector<2048xf32> to vector<2048x1xf32>
    %eq3A_132 = vector.broadcast %broadcast_in_dim3A_131 : vector<2048x1xf32> to vector<2048x1024xf32>
    %eq3A_133 = arith.cmpf oeq, %sub3A_128, %eq3A_132 : vector<2048x1024xf32>
    %get3A_134 = arith.constant 0 : index
    %get3A_135 = arith.constant 4096 : index
    %get3A_136 = vector.load %arg5[%get3A_134, %get3A_135] : memref<1x8192xf32, #tpu.memory_space<vmem>>, vector<1x1024xf32>
    %jit3A_137 = arith.constant 1.638400e+04 : f32
    %broadcast_in_dim3A_138 = vector.shape_cast %get3A_136 : vector<1x1024xf32> to vector<1x1024xf32>
    %broadcast_in_dim3A_139 = vector.broadcast %broadcast_in_dim3A_138 : vector<1x1024xf32> to vector<2048x1024xf32>
    %broadcast_in_dim3A_140 = vector.broadcast %jit3A_137 : f32 to vector<2048x1024xf32>
    %select_n3A_141 = arith.select %eq3A_133, %broadcast_in_dim3A_139, %broadcast_in_dim3A_140 : vector<2048x1024xi1>, vector<2048x1024xf32>
    %reduce_min3A_142 = arith.constant dense<0x7F800000> : vector<2048xf32>
    %reduce_min3A_143 = vector.multi_reduction <minimumf>, %select_n3A_141, %reduce_min3A_142 [1] : vector<2048x1024xf32> to vector<2048xf32>
    %broadcast_in_dim3A_144 = vector.shape_cast %reduce_min3A_143 : vector<2048xf32> to vector<2048x1xf32>
    %get3A_145 = arith.constant 5120 : index
    %get3A_146 = arith.constant 0 : index
    %get3A_147 = vector.load %arg3[%get3A_145, %get3A_146] : memref<8192x256xbf16, #tpu.memory_space<vmem>>, vector<1024x256xbf16>
    %dot_general3A_148 = arith.constant dense<0.000000e+00> : vector<2048x1024xf32>
    %dot_general3A_149 = tpu.matmul %get3A_1, %get3A_147, %dot_general3A_148 {dimension_numbers = #tpu.dot_dimension_numbers<[1], [1], [0], [0], [0, 0, 1, 0], [], []>, transpose_lhs_hint = false} : vector<2048x256xbf16>, vector<1024x256xbf16>, vector<2048x1024xf32> -> vector<2048x1024xf32>
    %get3A_150 = arith.constant 0 : index
    %get3A_151 = arith.constant 5120 : index
    %get3A_152 = vector.load %arg4[%get3A_150, %get3A_151] : memref<1x8192xf32, #tpu.memory_space<vmem>>, vector<1x1024xf32>
    %add3A_153 = vector.broadcast %get3A_4 : vector<2048x1xf32> to vector<2048x1024xf32>
    %add3A_154 = vector.broadcast %get3A_152 : vector<1x1024xf32> to vector<2048x1024xf32>
    %add3A_155 = arith.addf %add3A_153, %add3A_154 : vector<2048x1024xf32>
    %sub3A_156 = arith.subf %add3A_155, %dot_general3A_149 : vector<2048x1024xf32>
    %reduce_min3A_157 = arith.constant dense<0x7F800000> : vector<2048xf32>
    %reduce_min3A_158 = vector.multi_reduction <minimumf>, %sub3A_156, %reduce_min3A_157 [1] : vector<2048x1024xf32> to vector<2048xf32>
    %broadcast_in_dim3A_159 = vector.shape_cast %reduce_min3A_158 : vector<2048xf32> to vector<2048x1xf32>
    %eq3A_160 = vector.broadcast %broadcast_in_dim3A_159 : vector<2048x1xf32> to vector<2048x1024xf32>
    %eq3A_161 = arith.cmpf oeq, %sub3A_156, %eq3A_160 : vector<2048x1024xf32>
    %get3A_162 = arith.constant 0 : index
    %get3A_163 = arith.constant 5120 : index
    %get3A_164 = vector.load %arg5[%get3A_162, %get3A_163] : memref<1x8192xf32, #tpu.memory_space<vmem>>, vector<1x1024xf32>
    %jit3A_165 = arith.constant 1.638400e+04 : f32
    %broadcast_in_dim3A_166 = vector.shape_cast %get3A_164 : vector<1x1024xf32> to vector<1x1024xf32>
    %broadcast_in_dim3A_167 = vector.broadcast %broadcast_in_dim3A_166 : vector<1x1024xf32> to vector<2048x1024xf32>
    %broadcast_in_dim3A_168 = vector.broadcast %jit3A_165 : f32 to vector<2048x1024xf32>
    %select_n3A_169 = arith.select %eq3A_161, %broadcast_in_dim3A_167, %broadcast_in_dim3A_168 : vector<2048x1024xi1>, vector<2048x1024xf32>
    %reduce_min3A_170 = arith.constant dense<0x7F800000> : vector<2048xf32>
    %reduce_min3A_171 = vector.multi_reduction <minimumf>, %select_n3A_169, %reduce_min3A_170 [1] : vector<2048x1024xf32> to vector<2048xf32>
    %broadcast_in_dim3A_172 = vector.shape_cast %reduce_min3A_171 : vector<2048xf32> to vector<2048x1xf32>
    %lt3A_173 = arith.cmpf olt, %broadcast_in_dim3A_159, %broadcast_in_dim3A_131 : vector<2048x1xf32>
    %select_n3A_174 = arith.select %lt3A_173, %broadcast_in_dim3A_159, %broadcast_in_dim3A_131 : vector<2048x1xi1>, vector<2048x1xf32>
    %select_n3A_175 = arith.select %lt3A_173, %broadcast_in_dim3A_172, %broadcast_in_dim3A_144 : vector<2048x1xi1>, vector<2048x1xf32>
    %get3A_176 = arith.constant 6144 : index
    %get3A_177 = arith.constant 0 : index
    %get3A_178 = vector.load %arg3[%get3A_176, %get3A_177] : memref<8192x256xbf16, #tpu.memory_space<vmem>>, vector<1024x256xbf16>
    %dot_general3A_179 = arith.constant dense<0.000000e+00> : vector<2048x1024xf32>
    %dot_general3A_180 = tpu.matmul %get3A_1, %get3A_178, %dot_general3A_179 {dimension_numbers = #tpu.dot_dimension_numbers<[1], [1], [0], [0], [0, 0, 1, 0], [], []>, transpose_lhs_hint = false} : vector<2048x256xbf16>, vector<1024x256xbf16>, vector<2048x1024xf32> -> vector<2048x1024xf32>
    %get3A_181 = arith.constant 0 : index
    %get3A_182 = arith.constant 6144 : index
    %get3A_183 = vector.load %arg4[%get3A_181, %get3A_182] : memref<1x8192xf32, #tpu.memory_space<vmem>>, vector<1x1024xf32>
    %add3A_184 = vector.broadcast %get3A_4 : vector<2048x1xf32> to vector<2048x1024xf32>
    %add3A_185 = vector.broadcast %get3A_183 : vector<1x1024xf32> to vector<2048x1024xf32>
    %add3A_186 = arith.addf %add3A_184, %add3A_185 : vector<2048x1024xf32>
    %sub3A_187 = arith.subf %add3A_186, %dot_general3A_180 : vector<2048x1024xf32>
    %reduce_min3A_188 = arith.constant dense<0x7F800000> : vector<2048xf32>
    %reduce_min3A_189 = vector.multi_reduction <minimumf>, %sub3A_187, %reduce_min3A_188 [1] : vector<2048x1024xf32> to vector<2048xf32>
    %broadcast_in_dim3A_190 = vector.shape_cast %reduce_min3A_189 : vector<2048xf32> to vector<2048x1xf32>
    %eq3A_191 = vector.broadcast %broadcast_in_dim3A_190 : vector<2048x1xf32> to vector<2048x1024xf32>
    %eq3A_192 = arith.cmpf oeq, %sub3A_187, %eq3A_191 : vector<2048x1024xf32>
    %get3A_193 = arith.constant 0 : index
    %get3A_194 = arith.constant 6144 : index
    %get3A_195 = vector.load %arg5[%get3A_193, %get3A_194] : memref<1x8192xf32, #tpu.memory_space<vmem>>, vector<1x1024xf32>
    %jit3A_196 = arith.constant 1.638400e+04 : f32
    %broadcast_in_dim3A_197 = vector.shape_cast %get3A_195 : vector<1x1024xf32> to vector<1x1024xf32>
    %broadcast_in_dim3A_198 = vector.broadcast %broadcast_in_dim3A_197 : vector<1x1024xf32> to vector<2048x1024xf32>
    %broadcast_in_dim3A_199 = vector.broadcast %jit3A_196 : f32 to vector<2048x1024xf32>
    %select_n3A_200 = arith.select %eq3A_192, %broadcast_in_dim3A_198, %broadcast_in_dim3A_199 : vector<2048x1024xi1>, vector<2048x1024xf32>
    %reduce_min3A_201 = arith.constant dense<0x7F800000> : vector<2048xf32>
    %reduce_min3A_202 = vector.multi_reduction <minimumf>, %select_n3A_200, %reduce_min3A_201 [1] : vector<2048x1024xf32> to vector<2048xf32>
    %broadcast_in_dim3A_203 = vector.shape_cast %reduce_min3A_202 : vector<2048xf32> to vector<2048x1xf32>
    %lt3A_204 = arith.cmpf olt, %broadcast_in_dim3A_190, %select_n3A_174 : vector<2048x1xf32>
    %select_n3A_205 = arith.select %lt3A_204, %broadcast_in_dim3A_190, %select_n3A_174 : vector<2048x1xi1>, vector<2048x1xf32>
    %select_n3A_206 = arith.select %lt3A_204, %broadcast_in_dim3A_203, %select_n3A_175 : vector<2048x1xi1>, vector<2048x1xf32>
    %get3A_207 = arith.constant 7168 : index
    %get3A_208 = arith.constant 0 : index
    %get3A_209 = vector.load %arg3[%get3A_207, %get3A_208] : memref<8192x256xbf16, #tpu.memory_space<vmem>>, vector<1024x256xbf16>
    %dot_general3A_210 = arith.constant dense<0.000000e+00> : vector<2048x1024xf32>
    %dot_general3A_211 = tpu.matmul %get3A_1, %get3A_209, %dot_general3A_210 {dimension_numbers = #tpu.dot_dimension_numbers<[1], [1], [0], [0], [0, 0, 1, 0], [], []>, transpose_lhs_hint = false} : vector<2048x256xbf16>, vector<1024x256xbf16>, vector<2048x1024xf32> -> vector<2048x1024xf32>
    %get3A_212 = arith.constant 0 : index
    %get3A_213 = arith.constant 7168 : index
    %get3A_214 = vector.load %arg4[%get3A_212, %get3A_213] : memref<1x8192xf32, #tpu.memory_space<vmem>>, vector<1x1024xf32>
    %add3A_215 = vector.broadcast %get3A_4 : vector<2048x1xf32> to vector<2048x1024xf32>
    %add3A_216 = vector.broadcast %get3A_214 : vector<1x1024xf32> to vector<2048x1024xf32>
    %add3A_217 = arith.addf %add3A_215, %add3A_216 : vector<2048x1024xf32>
    %sub3A_218 = arith.subf %add3A_217, %dot_general3A_211 : vector<2048x1024xf32>
    %reduce_min3A_219 = arith.constant dense<0x7F800000> : vector<2048xf32>
    %reduce_min3A_220 = vector.multi_reduction <minimumf>, %sub3A_218, %reduce_min3A_219 [1] : vector<2048x1024xf32> to vector<2048xf32>
    %broadcast_in_dim3A_221 = vector.shape_cast %reduce_min3A_220 : vector<2048xf32> to vector<2048x1xf32>
    %eq3A_222 = vector.broadcast %broadcast_in_dim3A_221 : vector<2048x1xf32> to vector<2048x1024xf32>
    %eq3A_223 = arith.cmpf oeq, %sub3A_218, %eq3A_222 : vector<2048x1024xf32>
    %get3A_224 = arith.constant 0 : index
    %get3A_225 = arith.constant 7168 : index
    %get3A_226 = vector.load %arg5[%get3A_224, %get3A_225] : memref<1x8192xf32, #tpu.memory_space<vmem>>, vector<1x1024xf32>
    %jit3A_227 = arith.constant 1.638400e+04 : f32
    %broadcast_in_dim3A_228 = vector.shape_cast %get3A_226 : vector<1x1024xf32> to vector<1x1024xf32>
    %broadcast_in_dim3A_229 = vector.broadcast %broadcast_in_dim3A_228 : vector<1x1024xf32> to vector<2048x1024xf32>
    %broadcast_in_dim3A_230 = vector.broadcast %jit3A_227 : f32 to vector<2048x1024xf32>
    %select_n3A_231 = arith.select %eq3A_223, %broadcast_in_dim3A_229, %broadcast_in_dim3A_230 : vector<2048x1024xi1>, vector<2048x1024xf32>
    %reduce_min3A_232 = arith.constant dense<0x7F800000> : vector<2048xf32>
    %reduce_min3A_233 = vector.multi_reduction <minimumf>, %select_n3A_231, %reduce_min3A_232 [1] : vector<2048x1024xf32> to vector<2048xf32>
    %broadcast_in_dim3A_234 = vector.shape_cast %reduce_min3A_233 : vector<2048xf32> to vector<2048x1xf32>
    %lt3A_235 = arith.cmpf olt, %broadcast_in_dim3A_221, %select_n3A_205 : vector<2048x1xf32>
    %select_n3A_236 = arith.select %lt3A_235, %broadcast_in_dim3A_221, %select_n3A_205 : vector<2048x1xi1>, vector<2048x1xf32>
    %select_n3A_237 = arith.select %lt3A_235, %broadcast_in_dim3A_234, %select_n3A_206 : vector<2048x1xi1>, vector<2048x1xf32>
    %convert_element_type3A = arith.truncf %select_n3A_115 : vector<2048x1xf32> to vector<2048x1xbf16>
    %convert_element_type3A_238 = arith.extf %convert_element_type3A : vector<2048x1xbf16> to vector<2048x1xf32>
    %le3A = arith.cmpf ole, %convert_element_type3A_238, %select_n3A_236 : vector<2048x1xf32>
    %squeeze3A = vector.shape_cast %le3A : vector<2048x1xi1> to vector<2048xi1>
    %squeeze3A_239 = vector.shape_cast %select_n3A_116 : vector<2048x1xf32> to vector<2048xf32>
    %squeeze3A_240 = vector.shape_cast %select_n3A_237 : vector<2048x1xf32> to vector<2048xf32>
    %select_n3A_241 = arith.select %squeeze3A, %squeeze3A_239, %squeeze3A_240 : vector<2048xi1>, vector<2048xf32>
    %convert_element_type3A_242 = arith.fptosi %select_n3A_241 : vector<2048xf32> to vector<2048xi32>
    %swap3A = arith.constant 0 : index
    %swap3A_243 = arith.constant 0 : index
    %swap3A_244 = arith.constant 0 : index
    %swap3A_245 = vector.load %arg6[%swap3A, %swap3A_243, %swap3A_244] : memref<1x1x2048xi32, #tpu.memory_space<vmem>>, vector<1x1x2048xi32>
    %swap3A_246 = vector.shape_cast %swap3A_245 : vector<1x1x2048xi32> to vector<2048xi32>
    %swap3A_247 = vector.shape_cast %convert_element_type3A_242 : vector<2048xi32> to vector<1x1x2048xi32>
    tpu.vector_store %arg6[%swap3A, %swap3A_243, %swap3A_244], %swap3A_247 {strides = array<i32>} : memref<1x1x2048xi32, #tpu.memory_space<vmem>>, vector<1x1x2048xi32>,
    %select_n3A_248 = arith.select %le3A, %select_n3A_115, %select_n3A_236 : vector<2048x1xi1>, vector<2048x1xf32>
    %reduce_sum3A = vector.shape_cast %select_n3A_248 : vector<2048x1xf32> to vector<1x2048x1xf32>
    %reduce_sum3A_249 = arith.constant dense<0.000000e+00> : vector<1xf32>
    %reduce_sum3A_250 = vector.multi_reduction <add>, %reduce_sum3A, %reduce_sum3A_249 [1, 2] : vector<1x2048x1xf32> to vector<1xf32>
    %reduce_sum3A_251 = vector.shape_cast %reduce_sum3A_250 : vector<1xf32> to vector<1x1x1xf32>
    %reduce_sum3A_252 = vector.extract %reduce_sum3A_251[0, 0, 0] : f32 from vector<1x1x1xf32>
    %broadcast_in_dim3A_253 = vector.broadcast %reduce_sum3A_252 : f32 to vector<1x128xf32>
    %eq3A_254 = arith.constant 0 : i32
    %eq3A_255 = arith.cmpi eq, %arg0, %eq3A_254 : i32
    %convert_element_type3A_256 = arith.extui %eq3A_255 : i1 to i32
    %cond3A = arith.constant 0 : i32
    %cond3A_257 = arith.cmpi ne, %convert_element_type3A_256, %cond3A : i32
    scf.if %cond3A_257 {
      %broadcast_in_dim3A_265 = arith.constant 0.000000e+00 : f32
      %broadcast_in_dim3A_266 = vector.broadcast %broadcast_in_dim3A_265 : f32 to vector<1x128xf32>
      %swap3A_267 = arith.constant 0 : index
      %swap3A_268 = arith.constant 0 : index
      %swap3A_269 = vector.load %arg7[%swap3A_267, %swap3A_268] : memref<1x128xf32, #tpu.memory_space<vmem>>, vector<1x128xf32>
      tpu.vector_store %arg7[%swap3A_267, %swap3A_268], %broadcast_in_dim3A_266 {strides = array<i32>} : memref<1x128xf32, #tpu.memory_space<vmem>>, vector<1x128xf32>,
    } else {
    }
    %get3A_258 = arith.constant 0 : index
    %get3A_259 = arith.constant 0 : index
    %get3A_260 = vector.load %arg7[%get3A_258, %get3A_259] : memref<1x128xf32, #tpu.memory_space<vmem>>, vector<1x128xf32>
    %add3A_261 = arith.addf %get3A_260, %broadcast_in_dim3A_253 : vector<1x128xf32>
    %swap3A_262 = arith.constant 0 : index
    %swap3A_263 = arith.constant 0 : index
    %swap3A_264 = vector.load %arg7[%swap3A_262, %swap3A_263] : memref<1x128xf32, #tpu.memory_space<vmem>>, vector<1x128xf32>
    tpu.vector_store %arg7[%swap3A_262, %swap3A_263], %add3A_261 {strides = array<i32>} : memref<1x128xf32, #tpu.memory_space<vmem>>, vector<1x128xf32>,
    return
  }
  func.func @transform_0(%arg0: i32) -> (i32, i32) {
    %c0_i32 = arith.constant 0 : i32
    %c0_i32_0 = arith.constant 0 : i32
    return %arg0, %c0_i32 : i32, i32
  }
  func.func @transform_1(%arg0: i32) -> (i32, i32) {
    %c0_i32 = arith.constant 0 : i32
    %c0_i32_0 = arith.constant 0 : i32
    return %arg0, %c0_i32 : i32, i32
  }
  func.func @transform_2(%arg0: i32) -> (i32, i32) {
    %c0_i32 = arith.constant 0 : i32
    %c0_i32_0 = arith.constant 0 : i32
    %c0_i32_1 = arith.constant 0 : i32
    return %c0_i32, %c0_i32_0 : i32, i32
  }
  func.func @transform_3(%arg0: i32) -> (i32, i32) {
    %c0_i32 = arith.constant 0 : i32
    %c0_i32_0 = arith.constant 0 : i32
    %c0_i32_1 = arith.constant 0 : i32
    return %c0_i32, %c0_i32_0 : i32, i32
  }
  func.func @transform_4(%arg0: i32) -> (i32, i32) {
    %c0_i32 = arith.constant 0 : i32
    %c0_i32_0 = arith.constant 0 : i32
    %c0_i32_1 = arith.constant 0 : i32
    return %c0_i32, %c0_i32_0 : i32, i32
  }
  func.func @transform_5(%arg0: i32) -> (i32, i32, i32) {
    %c0_i32 = arith.constant 0 : i32
    %c0_i32_0 = arith.constant 0 : i32
    %c0_i32_1 = arith.constant 0 : i32
    return %arg0, %c0_i32, %c0_i32_0 : i32, i32, i32
  }
  func.func @transform_6(%arg0: i32) -> (i32, i32) {
    %c0_i32 = arith.constant 0 : i32
    %c0_i32_0 = arith.constant 0 : i32
    %c0_i32_1 = arith.constant 0 : i32
    return %c0_i32, %c0_i32_0 : i32, i32
  }
}

</mosaic_0001>

<sc_bundles>
// kernel: kernel.4.cloned.1.call-start
scs
__scs_entry_jumppad:
0x0: {  	(pc) =	sbr.rel $0x88, $3  }
0x1: {  	(tag) =	ssettag $0x0;
	lr =	simm.s32 $0x1  }
0x2: {  	[smem:$0x3F9F] =	sst lr;
	_ =	strace $0xD0000000  }
0x3: {  	_ = 	snop  }
0x4: {  	_ = 	snop  }
0x5: {  	_ = 	snop  }
0x6: {  	_ = 	snop  }
0x7: {  	_ = 	snop  }
__scs_overlays_trampoline_lowered:
0x8: {  	[smem:$0x3FAE] =	sst s0  }
0x9: {  	[smem:$0x3FAF] =	sst s1  }
0xa: {  	[smem:$0x3FB0] =	sst s2  }
0xb: {  	[smem:$0x3FB1] =	sst s3  }
0xc: {  	[smem:$0x3FB2] =	sst s4  }
0xd: {  	[smem:$0x3FB3] =	sst s5  }
0xe: {  	[smem:$0x3FB4] =	sst s6  }
0xf: {  	[smem:$0x3FB5] =	sst s7  }
0x10: {  	[smem:$0x3FB6] =	sst s8  }
0x11: {  	[smem:$0x3FB7] =	sst s9;
	s0 =	simm.s32 @!p0 $0x0  }
0x12: {  	s1 =	sld [smem:$0x3F9D];
	s0 =	simm.s32 @p0 $0x1  }
0x13: {  	[smem:$0x3FB8] =	sst s0;
	s0 =	simm.s32 @!p1 $0x0  }
0x14: {  	s2 =	sld [smem:$0x3F9C];
	s0 =	simm.s32 @p1 $0x1  }
0x15: {  	[smem:$0x3FB9] =	sst s0;
	s0 =	simm.s32 @!p2 $0x0  }
0x16: {  	s3 =	sld [smem:$0x3FDB];
	s0 =	simm.s32 @p2 $0x1  }
0x17: {  	s4 =	simm.s32 $0x1BF5;
	[smem:$0x3FBB] =	sst s0  }
0x18: {  	s0 =	sld [smem:$0x3F9E];
	_ =	swait.ge [sflag:s4], $0x0  }
0x19: {  	s7 =	sld [smem:$0x3F9F]  }
0x1a: {  	s8 =	sadd.s32 $0xFFFFE003, lr  }
0x1b: {  	s9 =	sadd.s32 $0xFFFFFEF7, lr;
	s5 =	simm.s32 $0xFFFFFFFF;
	p2 =	slt.u32 s8, $0xFFFFF086  }
0x1c: {  	p1 =	slt.u32 s9, $0xF7A;
	s5 =	simm.s32 @!p2 $0x0  }
0x1d: {  	s5 =	simm.s32 @p1 $0x1;
	p0 =	seq.s32 s7, s2  }
0x1e: {  	s7 =	smul.u32 @!p0 $0xF7A, s2;
	p2 =	seq.s32 @!p0 s5, $0x0  }
0x1f: {  	s9 =	smul.u32 $0xF7A, s1;
	s8 =	simm.s32 @!p0 $0x1BF5;
	p2 =	por !p2, p0  }
0x20: {  	[sflag:s8] =	ssyncset.s32 @!p0 $0xFFFFF086;
	s6 =	sadd.s32 @!p0 s3, s7;
	s7 =	simm.s32 @!p0 $0x108  }
0x21: {  	s3 =	sadd.s32 s3, s9;
	s6 =	sadd.s32 @!p0 $0x88, s6;
	s7 =	simm.s32 @p2 $0x1082  }
0x22: {  	[simem:s7], [sflag:s8] =	dma.local @!p0 [hbm:s6], $0xF7A  }
0x23: {  	s9 =	sor.u32 $0xD0000000, s2;
	s6 =	simm.s32 $0x108;
	_ =	swait.ge @!p0 [sflag:s8], $0x0  }
0x24: {  	s3 =	sadd.s32 $0x88, s3;
	s6 =	simm.s32 @!p1 $0x1082;
	[sflag:s4] =	ssyncset.s32 $0xFFFFF086  }
0x25: {  	[simem:s6], [sflag:s4] =	dma.local [hbm:s3], $0xF7A  }
0x26: {  	[smem:$0x3F9F] =	sst s1;
	(tag) =	ssettag s2;
	_ =	strace s9  }
0x27: {  	s1 =	sld [smem:$0x3FAF]  }
0x28: {  	s2 =	sld [smem:$0x3FB0]  }
0x29: {  	s4 =	sld [smem:$0x3FB2]  }
0x2a: {  	p0 =	seq.s32 s5, $0x0;
	s5 =	sld [smem:$0x3FB3]  }
0x2b: {  	s6 =	sld [smem:$0x3FB4]  }
0x2c: {  	s7 =	sld [smem:$0x3FB5]  }
0x2d: {  	s3 =	simm.s32 $0x108;
	s8 =	sld [smem:$0x3FB6]  }
0x2e: {  	s3 =	simm.s32 @!p0 $0x1082;
	s9 =	sld [smem:$0x3FB7]  }
0x2f: {  	lr =	sadd.s32 s0, s3;
	s0 =	sld [smem:$0x3FAE]  }
0x30: {  	s3 =	sld [smem:$0x3FB1]  }
0x31: {  	[smem:$0x3FBA] =	sst s10  }
0x32: {  	s10 =	sld [smem:$0x3FB8];
	_ =	sdelay $0x3  }
0x33: {  	p0 =	seq.s32 s10, $0x1;
	s10 =	sld [smem:$0x3FBA];
	_ =	sdelay $0x3  }
0x34: {  	[smem:$0x3FBA] =	sst s10  }
0x35: {  	s10 =	sld [smem:$0x3FB9];
	_ =	sdelay $0x3  }
0x36: {  	p1 =	seq.s32 s10, $0x1;
	s10 =	sld [smem:$0x3FBA];
	_ =	sdelay $0x3  }
0x37: {  	[smem:$0x3FBA] =	sst s10  }
0x38: {  	s10 =	sld [smem:$0x3FBB]  }
0x39: {  	_ = 	snop;
	(pc) =	sbr.ind lr, $3  }
0x3a: {  	_ = 	snop  }
0x3b: {  	_ = 	snop  }
0x3c: {  	p2 =	seq.s32 s10, $0x1;
	s10 =	sld [smem:$0x3FBA]  }
0x3d: {  	_ =	shalt  }
0x3e: {  	_ =	shalt  }
0x3f: {  	_ =	shalt  }
0x40: {  	_ =	shalt  }
0x41: {  	_ =	shalt  }
0x42: {  	_ =	shalt  }
0x43: {  	_ =	shalt  }
0x44: {  	_ =	shalt  }
0x45: {  	_ =	shalt  }
0x46: {  	_ =	shalt  }
0x47: {  	_ =	shalt  }
0x48: {  	_ =	shalt  }
0x49: {  	_ =	shalt  }
0x4a: {  	_ =	shalt  }
0x4b: {  	_ =	shalt  }
0x4c: {  	_ =	shalt  }
0x4d: {  	_ =	shalt  }
0x4e: {  	_ =	shalt  }
0x4f: {  	_ =	shalt  }
0x50: {  	_ =	shalt  }
0x51: {  	_ =	shalt  }
0x52: {  	_ =	shalt  }
0x53: {  	_ =	shalt  }
0x54: {  	_ =	shalt  }
0x55: {  	_ =	shalt  }
0x56: {  	_ =	shalt  }
0x57: {  	_ =	shalt  }
0x58: {  	_ =	shalt  }
0x59: {  	_ =	shalt  }
0x5a: {  	_ =	shalt  }
0x5b: {  	_ =	shalt  }
0x5c: {  	_ =	shalt  }
0x5d: {  	_ =	shalt  }
0x5e: {  	_ =	shalt  }
0x5f: {  	_ =	shalt  }
0x60: {  	_ =	shalt  }
0x61: {  	_ =	shalt  }
0x62: {  	_ =	shalt  }
0x63: {  	_ =	shalt  }
0x64: {  	_ =	shalt  }
0x65: {  	_ =	shalt  }
0x66: {  	_ =	shalt  }
0x67: {  	_ =	shalt  }
0x68: {  	_ =	shalt  }
0x69: {  	_ =	shalt  }
0x6a: {  	_ =	shalt  }
0x6b: {  	_ =	shalt  }
0x6c: {  	_ =	shalt  }
0x6d: {  	_ =	shalt  }
0x6e: {  	_ =	shalt  }
0x6f: {  	_ =	shalt  }
0x70: {  	_ =	shalt  }
0x71: {  	_ =	shalt  }
0x72: {  	_ =	shalt  }
0x73: {  	_ =	shalt  }
0x74: {  	_ =	shalt  }
0x75: {  	_ =	shalt  }
0x76: {  	_ =	shalt  }
0x77: {  	_ =	shalt  }
0x78: {  	_ =	shalt  }
0x79: {  	_ =	shalt  }
0x7a: {  	_ =	shalt  }
0x7b: {  	_ =	shalt  }
0x7c: {  	_ =	shalt  }
0x7d: {  	_ =	shalt  }
0x7e: {  	_ =	shalt  }
0x7f: {  	_ =	shalt  }
0x80: {  	_ =	shalt  }
0x81: {  	_ =	shalt  }
0x82: {  	_ =	shalt  }
0x83: {  	_ =	shalt  }
0x84: {  	_ =	shalt  }
0x85: {  	_ =	shalt  }
0x86: {  	_ =	shalt  }
0x87: {  	_ =	shalt  }
.Lfunc_end0:
.L_simem_size_0:
called_computation_lowered:
.L_overlay_start_0:
0x88: {  	s2 =	sld [smem:$0x3FD9]  }
0x89: {  	s3 =	sld [smem:$0x3FFE];
	_ =	sdelay $0x1  }
0x8a: {  	s1 =	srdreg.scid  }
0x8b: {  	s0 =	sand.u32 $0x1, s1  }
0x8c: {  	s14 =	sshll.u32 s0, $0xA;
	s2 =	sadd.s32 s3, s2  }
0x8d: {  	s2 =	sadd.s32 s2, s14  }
0x8e: {  	[smem:$0x3FC6] =	sst s2  }
0x8f: {  	_ = 	snop  }
0x90: {  	s2 =	sld [smem:$0x3FD0];
	_ =	sdelay $0x2  }
0x91: {  	s15 =	simm.s32 $0xA;
	s4 =	simm.s32 $0x10  }
0x92: {  	[smem:s4], [sflag:s15] =	dma.local [hbm:s2], $0x1  }
0x93: {  	_ =	swait.eq [sflag:s15], $0x1  }
0x94: {  	[sflag:s15] =	ssyncset.done $0x0  }
0x95: {  	[sflag:s15] =	ssyncadd.s32 $0xFFFFFFFF  }
0x96: {  	s16 =	sld [smem:$0x10];
	(tm) =	ssettm $0x1  }
0x97: {  	s17 =	sld [smem:$0x3FFB];
	_ =	sdelay $0x3  }
0x98: {  	_ =	strace s17  }
0x99: {  	s3 =	sld [smem:$0x3FFC];
	_ =	sdelay $0x3  }
0x9a: {  	_ =	strace s3  }
0x9b: {  	s3 =	sld [smem:$0x3FFD];
	_ =	sdelay $0x3  }
0x9c: {  	_ =	strace s3  }
0x9d: {  	_ =	strace $0x8FFFFFFF  }
0x9e: {  	s18 =	sld [smem:$0x3FDB];
	_ =	sdelay $0x1  }
0x9f: {  	s19 =	simm.s32 $_scs_section_size  }
0xa0: {  	s5 =	simm.s32 $_size__tile_overlayer_lowered;
	s6 =	simm.s32 $_tile_overlayer_lowered  }
0xa1: {  	s22 =	simm.s32 $0x1BFF;
	s21 =	sshll.u32 s6, $0x1;
	s3 =	sadd.s32 s19, s18  }
0xa2: {  	s7 =	simm.s32 $0x0;
	s20 =	sshll.u32 s5, $0x1;
	s5 =	sadd.s32 s21, s3  }
0xa3: {  	[timem:s7], [sflag:s22] =	dma.local [hbm:s5], s20  }
0xa4: {  	_ =	swait.ge [sflag:s22], s20  }
0xa5: {  	s4 =	ssub.s32 $0x0, s20;
	[sflag:s22] =	ssyncset.done $0x0  }
0xa6: {  	[sflag:s22] =	ssyncadd.s32 s4;
	_ =	sdelay $0x1  }
0xa7: {  	s23 =	simm.s32 $0x1B8B  }
0xa8: {  	_ =	swait.ge [sflag:s23], $0x1  }
0xa9: {  	[sflag:s23] =	ssyncset.done $0x0  }
0xaa: {  	s25 =	simm.s32 $0x1B8E;
	s24 =	sld [smem:$0x3FFE];
	[sflag:s23] =	ssyncadd.s32 $0xFFFFFFFF  }
0xab: {  	s26 =	simm.s32 $execute0_lowered;
	[smem:$0x3FD2] =	sst s25  }
0xac: {  	s5 =	sshll.u32 s26, $0x1;
	_ =	strace $0x80000046;
	[dreg:$0x1] =	wrdreg $0xFFFFFFFF  }
0xad: {  	s28 =	simm.s32 $_size_execute0_lowered;
	s3 =	sadd.s32 s3, s5;
	[dreg:$0x0] =	wrdreg $0x0  }
0xae: {  	s5 =	sshll.u32 s28, $0x1;
	[dreg:$0x2] =	wrdreg s3  }
0xaf: {  	[dreg:$0x3] =	wrdreg s5  }
0xb0: {  	[dreg:$0x4] =	wrdreg $0xC0  }
0xb1: {  	_ =	task [dreg:s7], $0x5FFFF  }
0xb2: {  	[dreg:$0x1] =	wrdreg $0xFFFFFFFF  }
0xb3: {  	[dreg:$0x0] =	wrdreg $0x60  }
0xb4: {  	[dreg:$0x2] =	wrdreg s16  }
0xb5: {  	[dreg:$0x3] =	wrdreg s24  }
0xb6: {  	[dreg:$0x4] =	wrdreg $0x9  }
0xb7: {  	_ =	task.clear_ibuf [dreg:s7], $0x5FFFF;
	_ =	strace $0x90000046  }
0xb8: {  	s29 =	simm.s32 $0x9;
	_ =	strace $0x80000048  }
0xb9: {  	_ =	swait.ge [sflag:s29], $0x1  }
0xba: {  	[sflag:s29] =	ssyncadd.s32 $0xFFFFFFFF  }
0xbb: {  	_ =	strace $0x90000048  }
0xbc: {  	_ =	sfence  }
0xbd: {  	s30 =	sld [smem:$0x0];
	_ =	sdelay $0x2  }
0xbe: {  	s31 =	sshll.u32 s1, $0xD;
	s1 =	sshrl.u32 s1, $0x2  }
0xbf: {  	s3 =	sand.u32 $0x4000, s31;
	s1 =	sadd.s32 s1, s30  }
0xc0: {  	s0 =	sor.u32 s3, s0;
	s1 =	sshll.u32 s1, $0x11  }
0xc1: {  	s0 =	sor.u32 s1, s0  }
0xc2: {  	s0 =	sadd.s32 $0x8F2B, s0  }
0xc3: {  	[sflag:s0] =	ssyncadd.remote.s32 $0x1  }
0xc4: {  	_ =	sfence.sel $0xFFFF  }
0xc5: {  	[dreg:$0x0] =	wrdreg $0xFFFFFFFF;
	(pc) =	sbr.abs _section_cstart, $3  }
0xc6: {  	[dreg:$0x1] =	wrdreg $0xFFFFFFFF  }
0xc7: {  	_ =	task.clear_ibuf [dreg:s7], $0x2FFFF;
	_ =	strace $0x9FFFFFFF  }
0xc8: {  	(tm) =	ssettm $0x7FFFFFFF  }
0xc9: {  	_ =	shalt  }
tec
execute0_lowered:
.L_overlay_start_1:
0x0: {  	(tag) =	ssettag $0x1  }
0x1: {  	s1 =	rddreg [dreg:$0x0]  }
0x2: {  	s0 =	rddreg [dreg:$0x1]  }
0x3: {  	s4 =	srdreg.scid;
	s3 =	simm.s32 $0x0;
	s2 =	stileid.u32  }
0x4: {  	s17 =	simm.s32 $0x900;
	s18 =	simm.s32 $0x1100;
	s19 =	simm.s32 $0x1900  }
0x5: {  	s20 =	simm.s32 $0x2100;
	s21 =	simm.s32 $0x2900;
	s23 =	simm.s32 $0x3100  }
0x6: {  	s24 =	simm.s32 $0x3900;
	s25 =	simm.s32 $0x4100;
	[smem:$0x7FF] =	sst s3  }
0x7: {  	s26 =	simm.s32 $0x4900;
	_ =	strace $0x80000047;
	[dreg:$0x7] =	wrdreg s17  }
0x8: {  	s10 =	simm.s32 $0x6900;
	s11 =	simm.s32 $0x7100;
	[dreg:$0x8] =	wrdreg s18  }
0x9: {  	s12 =	simm.s32 $0x7900;
	s13 =	simm.s32 $0x80;
	[dreg:$0x9] =	wrdreg s19  }
0xa: {  	s14 =	simm.s32 $0x8100;
	s28 =	simm.s32 $0xE900;
	[dreg:$0xa] =	wrdreg s20  }
0xb: {  	s29 =	simm.s32 $0xF100;
	s30 =	simm.s32 $0xF900;
	[dreg:$0xb] =	wrdreg s21  }
0xc: {  	s31 =	simm.s32 $0x1;
	s4 =	sand.u32 $0x1, s4;
	[dreg:$0xc] =	wrdreg s23  }
0xd: {  	s5 =	sshll.u32 s2, $0x9;
	s15 =	sadd.s32 $0xE00, s0;
	[dreg:$0xd] =	wrdreg s24  }
0xe: {  	s0 =	sadd.s32 $0x1200, s0;
	s6 =	sshll.u32 s4, $0x8;
	[dreg:$0xe] =	wrdreg s25  }
0xf: {  	s4 =	ssub.s32 $0x2, s4;
	[dreg:$0xf] =	wrdreg s26;
	s17 =	simm.s32 $0x9900  }
0x10: {  	s18 =	simm.s32 $0xA100;
	s19 =	simm.s32 $0xA900;
	s20 =	simm.s32 $0xB100  }
0x11: {  	s21 =	simm.s32 $0xB900;
	s23 =	simm.s32 $0xC900;
	s24 =	simm.s32 $0xD100  }
0x12: {  	s25 =	simm.s32 $0xD900;
	s26 =	simm.s32 $0xE100;
	s5 =	sor.u32 s6, s5  }
0x13: {  	s22 =	sshrl.u32 s4, $0x1;
	s7 =	sshrl.u32 s5, $0x3;
	s8 =	sor.u32 $0x80, s5  }
0x14: {  	s5 =	sshll.u32 s5, $0x5;
	s4 =	ssub.s32 s4, s22;
	s22 =	simm.s32 $0xC100  }
0x15: {  	s7 =	sadd.s32 s15, s7;
	s9 =	sshrl.u32 s8, $0x3;
	s5 =	sadd.s32 s0, s5  }
0x16: {  	s16 =	sshll.u32 s8, $0x5;
	s4 =	smax.u32 s4, $0x1;
	[dreg:$0x3] =	wrdreg s7  }
0x17: {  	s8 =	simm.s32 $0x5900;
	s6 =	sadd.s32 s15, s9;
	[dreg:$0x5] =	wrdreg s5  }
0x18: {  	v2 =	vlaneseq.u32;
	s0 =	sadd.s32 s0, s16;
	s5 =	simm.s32 $0x3;
	s9 =	simm.s32 $0x6100  }
0x19: {  	vm0 =	vmmov $0xffff;
	v1 =	vshrl.u32 v2, $0x3;
	s15 =	simm.s32 $0x8900;
	s16 =	simm.s32 $0x9100;
	[dreg:$0x4] =	wrdreg s6  }
0x1a: {  	v0 =	vand.u32 $0x7, v2;
	v2 =	vor.u32 $0x8, v2;
	v1 =	vmul.u32 $0x8, v1;
	[dreg:$0x6] =	wrdreg s0;
	s6 =	simm.s32 $0x100;
	s0 =	simm.s32 $0x2  }
.LBB2_1:
0x1b: {  	s2 =	rddreg [dreg:$0x3]  }
0x1c: {  	[tilespmem:s3], [sflag:$0x3] =	stream.linear.gather [hbm4b:s2+s3], $0x80, $0x38;
	[tilespmem:$0x10100] =	vst v63  }
0x1d: {  	_ =	swait.ge [sflag:s5], $0x80  }
0x1e: {  	[sflag:s5] =	ssyncset.done $0x0  }
0x1f: {  	[sflag:s5] =	ssyncadd.s32 $0xFFFFFF80  }
0x20: {  	v3 =	vld [tilespmem:$0x0];
	_ =	sdelay $0x4  }
0x21: {  	v4 =	vshll.u32 v3, $0x1  }
0x22: {  	v3 =	vand.u32 $0x7, v3;
	v4 =	vand.u32 $0xFFFFFFF0, v4  }
0x23: {  	v3 =	vor.u32 v3, v4  }
0x24: {  	v4 =	vperm.xlane v3, v0;
	_ =	sdelay $0x1  }
0x25: {  	v3 =	vperm.xlane v3, v2;
	v4 =	vadd.s32 v1, v4;
	_ =	sdelay $0x1  }
0x26: {  	v3 =	vadd.s32 v1, v3;
	_ =	sdelay $0x2  }
0x27: {  	[tilespmem:s6], [sflag:$0x1] =	stream.indirect_vreg.gather [hbm4b:s1+s3], $0x80, v4, vm0, $0xb8;
	[tilespmem:$0x10100] =	vst v63  }
0x28: {  	s7 =	rddreg [dreg:$0x7]  }
0x29: {  	[tilespmem:s7], [sflag:$0x1] =	stream.indirect_vreg.gather [hbm4b:s1+s3], $0x80, v3, vm0, $0xb8;
	[tilespmem:$0x10100] =	vst v63  }
0x2a: {  	v3 =	vld [tilespmem:$0x10];
	_ =	sdelay $0x4  }
0x2b: {  	v49 =	vshll.u32 v3, $0x1  }
0x2c: {  	v3 =	vand.u32 $0x7, v3;
	v4 =	vand.u32 $0xFFFFFFF0, v49  }
0x2d: {  	v3 =	vor.u32 v3, v4  }
0x2e: {  	v4 =	vperm.xlane v3, v0;
	_ =	sdelay $0x1  }
0x2f: {  	v3 =	vperm.xlane v3, v2;
	v4 =	vadd.s32 v1, v4;
	_ =	sdelay $0x1  }
0x30: {  	v3 =	vadd.s32 v1, v3;
	_ =	sdelay $0x1  }
0x31: {  	s2 =	rddreg [dreg:$0x8]  }
0x32: {  	[tilespmem:s2], [sflag:$0x1] =	stream.indirect_vreg.gather [hbm4b:s1+s3], $0x80, v4, vm0, $0xb8;
	[tilespmem:$0x10100] =	vst v63  }
0x33: {  	s7 =	rddreg [dreg:$0x9]  }
0x34: {  	[tilespmem:s7], [sflag:$0x1] =	stream.indirect_vreg.gather [hbm4b:s1+s3], $0x80, v3, vm0, $0xb8;
	[tilespmem:$0x10100] =	vst v63  }
0x35: {  	v3 =	vld [tilespmem:$0x20];
	_ =	sdelay $0x4  }
0x36: {  	v50 =	vshll.u32 v3, $0x1  }
0x37: {  	v3 =	vand.u32 $0x7, v3;
	v4 =	vand.u32 $0xFFFFFFF0, v50  }
0x38: {  	v3 =	vor.u32 v3, v4  }
0x39: {  	v4 =	vperm.xlane v3, v0;
	_ =	sdelay $0x1  }
0x3a: {  	v3 =	vperm.xlane v3, v2;
	v4 =	vadd.s32 v1, v4;
	_ =	sdelay $0x1  }
0x3b: {  	v3 =	vadd.s32 v1, v3;
	_ =	sdelay $0x1  }
0x3c: {  	s2 =	rddreg [dreg:$0xa]  }
0x3d: {  	[tilespmem:s2], [sflag:$0x1] =	stream.indirect_vreg.gather [hbm4b:s1+s3], $0x80, v4, vm0, $0xb8;
	[tilespmem:$0x10100] =	vst v63  }
0x3e: {  	s7 =	rddreg [dreg:$0xb]  }
0x3f: {  	[tilespmem:s7], [sflag:$0x1] =	stream.indirect_vreg.gather [hbm4b:s1+s3], $0x80, v3, vm0, $0xb8;
	[tilespmem:$0x10100] =	vst v63  }
0x40: {  	v3 =	vld [tilespmem:$0x30];
	_ =	sdelay $0x4  }
0x41: {  	v51 =	vshll.u32 v3, $0x1  }
0x42: {  	v3 =	vand.u32 $0x7, v3;
	v4 =	vand.u32 $0xFFFFFFF0, v51  }
0x43: {  	v3 =	vor.u32 v3, v4  }
0x44: {  	v4 =	vperm.xlane v3, v0;
	_ =	sdelay $0x1  }
0x45: {  	v3 =	vperm.xlane v3, v2;
	v4 =	vadd.s32 v1, v4;
	_ =	sdelay $0x1  }
0x46: {  	v3 =	vadd.s32 v1, v3;
	_ =	sdelay $0x1  }
0x47: {  	s2 =	rddreg [dreg:$0xc]  }
0x48: {  	[tilespmem:s2], [sflag:$0x1] =	stream.indirect_vreg.gather [hbm4b:s1+s3], $0x80, v4, vm0, $0xb8;
	[tilespmem:$0x10100] =	vst v63  }
0x49: {  	s7 =	rddreg [dreg:$0xd]  }
0x4a: {  	[tilespmem:s7], [sflag:$0x1] =	stream.indirect_vreg.gather [hbm4b:s1+s3], $0x80, v3, vm0, $0xb8;
	[tilespmem:$0x10100] =	vst v63  }
0x4b: {  	v3 =	vld [tilespmem:$0x40];
	_ =	sdelay $0x4  }
0x4c: {  	v52 =	vshll.u32 v3, $0x1  }
0x4d: {  	v3 =	vand.u32 $0x7, v3;
	v4 =	vand.u32 $0xFFFFFFF0, v52  }
0x4e: {  	v3 =	vor.u32 v3, v4  }
0x4f: {  	v4 =	vperm.xlane v3, v0;
	_ =	sdelay $0x1  }
0x50: {  	v3 =	vperm.xlane v3, v2;
	v4 =	vadd.s32 v1, v4;
	_ =	sdelay $0x1  }
0x51: {  	v3 =	vadd.s32 v1, v3;
	_ =	sdelay $0x1  }
0x52: {  	s2 =	rddreg [dreg:$0xe]  }
0x53: {  	[tilespmem:s2], [sflag:$0x1] =	stream.indirect_vreg.gather [hbm4b:s1+s3], $0x80, v4, vm0, $0xb8;
	[tilespmem:$0x10100] =	vst v63  }
0x54: {  	s7 =	rddreg [dreg:$0xf]  }
0x55: {  	[tilespmem:s7], [sflag:$0x1] =	stream.indirect_vreg.gather [hbm4b:s1+s3], $0x80, v3, vm0, $0xb8;
	[tilespmem:$0x10100] =	vst v63  }
0x56: {  	v3 =	vld [tilespmem:$0x50];
	_ =	sdelay $0x4  }
0x57: {  	v53 =	vshll.u32 v3, $0x1  }
0x58: {  	v3 =	vand.u32 $0x7, v3;
	v4 =	vand.u32 $0xFFFFFFF0, v53  }
0x59: {  	v3 =	vor.u32 v3, v4  }
0x5a: {  	v4 =	vperm.xlane v3, v0;
	_ =	sdelay $0x1  }
0x5b: {  	v3 =	vperm.xlane v3, v2;
	v4 =	vadd.s32 v1, v4;
	_ =	sdelay $0x1  }
0x5c: {  	v3 =	vadd.s32 v1, v3;
	_ =	sdelay $0x1  }
0x5d: {  	s7 =	simm.s32 $0x5100  }
0x5e: {  	[tilespmem:s7], [sflag:$0x1] =	stream.indirect_vreg.gather [hbm4b:s1+s3], $0x80, v4, vm0, $0xb8;
	[tilespmem:$0x10100] =	vst v63  }
0x5f: {  	_ = 	snop  }
0x60: {  	[tilespmem:s8], [sflag:$0x1] =	stream.indirect_vreg.gather [hbm4b:s1+s3], $0x80, v3, vm0, $0xb8;
	[tilespmem:$0x10100] =	vst v63  }
0x61: {  	v3 =	vld [tilespmem:$0x60];
	_ =	sdelay $0x4  }
0x62: {  	v54 =	vshll.u32 v3, $0x1  }
0x63: {  	v3 =	vand.u32 $0x7, v3;
	v4 =	vand.u32 $0xFFFFFFF0, v54  }
0x64: {  	v3 =	vor.u32 v3, v4  }
0x65: {  	v4 =	vperm.xlane v3, v0;
	_ =	sdelay $0x1  }
0x66: {  	v3 =	vperm.xlane v3, v2;
	v4 =	vadd.s32 v1, v4;
	_ =	sdelay $0x1  }
0x67: {  	v3 =	vadd.s32 v1, v3;
	_ =	sdelay $0x2  }
0x68: {  	[tilespmem:s9], [sflag:$0x1] =	stream.indirect_vreg.gather [hbm4b:s1+s3], $0x80, v4, vm0, $0xb8;
	[tilespmem:$0x10100] =	vst v63  }
0x69: {  	_ = 	snop  }
0x6a: {  	[tilespmem:s10], [sflag:$0x1] =	stream.indirect_vreg.gather [hbm4b:s1+s3], $0x80, v3, vm0, $0xb8;
	[tilespmem:$0x10100] =	vst v63  }
0x6b: {  	v3 =	vld [tilespmem:$0x70];
	_ =	sdelay $0x4  }
0x6c: {  	v55 =	vshll.u32 v3, $0x1  }
0x6d: {  	v3 =	vand.u32 $0x7, v3;
	v4 =	vand.u32 $0xFFFFFFF0, v55  }
0x6e: {  	v3 =	vor.u32 v3, v4  }
0x6f: {  	v4 =	vperm.xlane v3, v0;
	_ =	sdelay $0x1  }
0x70: {  	v3 =	vperm.xlane v3, v2;
	v4 =	vadd.s32 v1, v4;
	_ =	sdelay $0x1  }
0x71: {  	v3 =	vadd.s32 v1, v3;
	_ =	sdelay $0x2  }
0x72: {  	[tilespmem:s11], [sflag:$0x1] =	stream.indirect_vreg.gather [hbm4b:s1+s3], $0x80, v4, vm0, $0xb8;
	[tilespmem:$0x10100] =	vst v63  }
0x73: {  	_ = 	snop  }
0x74: {  	[tilespmem:s12], [sflag:$0x1] =	stream.indirect_vreg.gather [hbm4b:s1+s3], $0x80, v3, vm0, $0xb8;
	[tilespmem:$0x10100] =	vst v63  }
0x75: {  	s7 =	rddreg [dreg:$0x4]  }
0x76: {  	[tilespmem:s13], [sflag:$0x3] =	stream.linear.gather [hbm4b:s7+s3], $0x80, $0x38;
	[tilespmem:$0x10100] =	vst v63  }
0x77: {  	_ =	swait.ge [sflag:s5], $0x80  }
0x78: {  	[sflag:s5] =	ssyncset.done $0x0  }
0x79: {  	[sflag:s5] =	ssyncadd.s32 $0xFFFFFF80  }
0x7a: {  	v3 =	vld [tilespmem:$0x80];
	_ =	sdelay $0x4  }
0x7b: {  	v56 =	vshll.u32 v3, $0x1  }
0x7c: {  	v3 =	vand.u32 $0x7, v3;
	v4 =	vand.u32 $0xFFFFFFF0, v56  }
0x7d: {  	v3 =	vor.u32 v3, v4  }
0x7e: {  	v4 =	vperm.xlane v3, v0;
	_ =	sdelay $0x1  }
0x7f: {  	v3 =	vperm.xlane v3, v2;
	v4 =	vadd.s32 v1, v4;
	_ =	sdelay $0x1  }
0x80: {  	v3 =	vadd.s32 v1, v3;
	_ =	sdelay $0x2  }
0x81: {  	[tilespmem:s14], [sflag:$0x2] =	stream.indirect_vreg.gather [hbm4b:s1+s3], $0x80, v4, vm0, $0xb8;
	[tilespmem:$0x10100] =	vst v63  }
0x82: {  	_ = 	snop  }
0x83: {  	[tilespmem:s15], [sflag:$0x2] =	stream.indirect_vreg.gather [hbm4b:s1+s3], $0x80, v3, vm0, $0xb8;
	[tilespmem:$0x10100] =	vst v63  }
0x84: {  	v3 =	vld [tilespmem:$0x90];
	_ =	sdelay $0x4  }
0x85: {  	v57 =	vshll.u32 v3, $0x1  }
0x86: {  	v3 =	vand.u32 $0x7, v3;
	v4 =	vand.u32 $0xFFFFFFF0, v57  }
0x87: {  	v3 =	vor.u32 v3, v4  }
0x88: {  	v4 =	vperm.xlane v3, v0;
	_ =	sdelay $0x1  }
0x89: {  	v3 =	vperm.xlane v3, v2;
	v4 =	vadd.s32 v1, v4;
	_ =	sdelay $0x1  }
0x8a: {  	v3 =	vadd.s32 v1, v3;
	_ =	sdelay $0x2  }
0x8b: {  	[tilespmem:s16], [sflag:$0x2] =	stream.indirect_vreg.gather [hbm4b:s1+s3], $0x80, v4, vm0, $0xb8;
	[tilespmem:$0x10100] =	vst v63  }
0x8c: {  	_ = 	snop  }
0x8d: {  	[tilespmem:s17], [sflag:$0x2] =	stream.indirect_vreg.gather [hbm4b:s1+s3], $0x80, v3, vm0, $0xb8;
	[tilespmem:$0x10100] =	vst v63  }
0x8e: {  	v3 =	vld [tilespmem:$0xA0];
	_ =	sdelay $0x4  }
0x8f: {  	v58 =	vshll.u32 v3, $0x1  }
0x90: {  	v3 =	vand.u32 $0x7, v3;
	v4 =	vand.u32 $0xFFFFFFF0, v58  }
0x91: {  	v3 =	vor.u32 v3, v4  }
0x92: {  	v4 =	vperm.xlane v3, v0;
	_ =	sdelay $0x1  }
0x93: {  	v3 =	vperm.xlane v3, v2;
	v4 =	vadd.s32 v1, v4;
	_ =	sdelay $0x1  }
0x94: {  	v3 =	vadd.s32 v1, v3;
	_ =	sdelay $0x2  }
0x95: {  	[tilespmem:s18], [sflag:$0x2] =	stream.indirect_vreg.gather [hbm4b:s1+s3], $0x80, v4, vm0, $0xb8;
	[tilespmem:$0x10100] =	vst v63  }
0x96: {  	_ = 	snop  }
0x97: {  	[tilespmem:s19], [sflag:$0x2] =	stream.indirect_vreg.gather [hbm4b:s1+s3], $0x80, v3, vm0, $0xb8;
	[tilespmem:$0x10100] =	vst v63  }
0x98: {  	v3 =	vld [tilespmem:$0xB0];
	_ =	sdelay $0x4  }
0x99: {  	v59 =	vshll.u32 v3, $0x1  }
0x9a: {  	v3 =	vand.u32 $0x7, v3;
	v4 =	vand.u32 $0xFFFFFFF0, v59  }
0x9b: {  	v3 =	vor.u32 v3, v4  }
0x9c: {  	v4 =	vperm.xlane v3, v0;
	_ =	sdelay $0x1  }
0x9d: {  	v3 =	vperm.xlane v3, v2;
	v4 =	vadd.s32 v1, v4;
	_ =	sdelay $0x1  }
0x9e: {  	v3 =	vadd.s32 v1, v3;
	_ =	sdelay $0x2  }
0x9f: {  	[tilespmem:s20], [sflag:$0x2] =	stream.indirect_vreg.gather [hbm4b:s1+s3], $0x80, v4, vm0, $0xb8;
	[tilespmem:$0x10100] =	vst v63  }
0xa0: {  	_ = 	snop  }
0xa1: {  	[tilespmem:s21], [sflag:$0x2] =	stream.indirect_vreg.gather [hbm4b:s1+s3], $0x80, v3, vm0, $0xb8;
	[tilespmem:$0x10100] =	vst v63  }
0xa2: {  	v3 =	vld [tilespmem:$0xC0];
	_ =	sdelay $0x4  }
0xa3: {  	v60 =	vshll.u32 v3, $0x1  }
0xa4: {  	v3 =	vand.u32 $0x7, v3;
	v4 =	vand.u32 $0xFFFFFFF0, v60  }
0xa5: {  	v3 =	vor.u32 v3, v4  }
0xa6: {  	v4 =	vperm.xlane v3, v0;
	_ =	sdelay $0x1  }
0xa7: {  	v3 =	vperm.xlane v3, v2;
	v4 =	vadd.s32 v1, v4;
	_ =	sdelay $0x1  }
0xa8: {  	v3 =	vadd.s32 v1, v3;
	_ =	sdelay $0x2  }
0xa9: {  	[tilespmem:s22], [sflag:$0x2] =	stream.indirect_vreg.gather [hbm4b:s1+s3], $0x80, v4, vm0, $0xb8;
	[tilespmem:$0x10100] =	vst v63  }
0xaa: {  	_ = 	snop  }
0xab: {  	[tilespmem:s23], [sflag:$0x2] =	stream.indirect_vreg.gather [hbm4b:s1+s3], $0x80, v3, vm0, $0xb8;
	[tilespmem:$0x10100] =	vst v63  }
0xac: {  	v3 =	vld [tilespmem:$0xD0];
	_ =	sdelay $0x4  }
0xad: {  	v61 =	vshll.u32 v3, $0x1  }
0xae: {  	v3 =	vand.u32 $0x7, v3;
	v4 =	vand.u32 $0xFFFFFFF0, v61  }
0xaf: {  	v3 =	vor.u32 v3, v4  }
0xb0: {  	v4 =	vperm.xlane v3, v0;
	_ =	sdelay $0x1  }
0xb1: {  	v3 =	vperm.xlane v3, v2;
	v4 =	vadd.s32 v1, v4;
	_ =	sdelay $0x1  }
0xb2: {  	v3 =	vadd.s32 v1, v3;
	_ =	sdelay $0x2  }
0xb3: {  	[tilespmem:s24], [sflag:$0x2] =	stream.indirect_vreg.gather [hbm4b:s1+s3], $0x80, v4, vm0, $0xb8;
	[tilespmem:$0x10100] =	vst v63  }
0xb4: {  	_ = 	snop  }
0xb5: {  	[tilespmem:s25], [sflag:$0x2] =	stream.indirect_vreg.gather [hbm4b:s1+s3], $0x80, v3, vm0, $0xb8;
	[tilespmem:$0x10100] =	vst v63  }
0xb6: {  	v3 =	vld [tilespmem:$0xE0];
	_ =	sdelay $0x4  }
0xb7: {  	v62 =	vshll.u32 v3, $0x1  }
0xb8: {  	v3 =	vand.u32 $0x7, v3;
	v4 =	vand.u32 $0xFFFFFFF0, v62  }
0xb9: {  	v3 =	vor.u32 v3, v4  }
0xba: {  	v4 =	vperm.xlane v3, v0;
	_ =	sdelay $0x1  }
0xbb: {  	v3 =	vperm.xlane v3, v2;
	v4 =	vadd.s32 v1, v4;
	_ =	sdelay $0x1  }
0xbc: {  	v3 =	vadd.s32 v1, v3;
	_ =	sdelay $0x2  }
0xbd: {  	[tilespmem:s26], [sflag:$0x2] =	stream.indirect_vreg.gather [hbm4b:s1+s3], $0x80, v4, vm0, $0xb8;
	[tilespmem:$0x10100] =	vst v63  }
0xbe: {  	_ = 	snop  }
0xbf: {  	[tilespmem:s28], [sflag:$0x2] =	stream.indirect_vreg.gather [hbm4b:s1+s3], $0x80, v3, vm0, $0xb8;
	[tilespmem:$0x10100] =	vst v63  }
0xc0: {  	v3 =	vld [tilespmem:$0xF0];
	_ =	sdelay $0x4  }
0xc1: {  	v63 =	vshll.u32 v3, $0x1  }
0xc2: {  	v3 =	vand.u32 $0x7, v3;
	v4 =	vand.u32 $0xFFFFFFF0, v63  }
0xc3: {  	v3 =	vor.u32 v3, v4  }
0xc4: {  	v4 =	vperm.xlane v3, v0;
	_ =	sdelay $0x1  }
0xc5: {  	v3 =	vperm.xlane v3, v2;
	v4 =	vadd.s32 v1, v4;
	_ =	sdelay $0x1  }
0xc6: {  	v3 =	vadd.s32 v1, v3;
	_ =	sdelay $0x2  }
0xc7: {  	[tilespmem:s29], [sflag:$0x2] =	stream.indirect_vreg.gather [hbm4b:s1+s3], $0x80, v4, vm0, $0xb8;
	[tilespmem:$0x10100] =	vst v63  }
0xc8: {  	_ = 	snop  }
0xc9: {  	[tilespmem:s30], [sflag:$0x2] =	stream.indirect_vreg.gather [hbm4b:s1+s3], $0x80, v3, vm0, $0xb8;
	[tilespmem:$0x10100] =	vst v63  }
0xca: {  	_ =	swait.ge [sflag:s31], $0x8000  }
0xcb: {  	[sflag:s31] =	ssyncset.done $0x0  }
0xcc: {  	s7 =	rddreg [dreg:$0x5];
	[sflag:s31] =	ssyncadd.s32 $0xFFFF8000  }
0xcd: {  	[hbm4b:s7+s3] =	stream.linear.scatter [tilespmem:s6], [sflag:$0x3], $0x8000, $0x38;
	[tilespmem:$0x10100] =	vst v63  }
0xce: {  	_ =	swait.ge [sflag:s5], $0x8000  }
0xcf: {  	[sflag:s5] =	ssyncset.done $0x0  }
0xd0: {  	[sflag:s5] =	ssyncadd.s32 $0xFFFF8000  }
0xd1: {  	_ =	swait.ge [sflag:s0], $0x8000  }
0xd2: {  	p0 =	sne.s32 s4, $0x1;
	[sflag:s0] =	ssyncset.done $0x0  }
.Ltmp0:
0xd3: {  	s7 =	rddreg [dreg:$0x6];
	[sflag:s0] =	ssyncadd.s32 $0xFFFF8000;
	(pc) =	sbr.rel @p0 .LBB2_1-.Ltmp0, $4  }
0xd4: {  	[hbm4b:s7+s3] =	stream.linear.scatter [tilespmem:s14], [sflag:$0x3], $0x8000, $0x38;
	[tilespmem:$0x10100] =	vst v63  }
0xd5: {  	_ =	swait.ge [sflag:s5], $0x8000  }
0xd6: {  	[sflag:s5] =	ssyncset.done $0x0  }
0xd7: {  	s4 =	sadd.s32 $0xFFFFFFFF, s4;
	[sflag:s5] =	ssyncadd.s32 $0xFFFF8000  }
0xd8: {  	_ =	sfence.sel $0x180000  }
0xd9: {  	[bflag:$0x0] =	sbarrier.arrive $0xFFFF  }
0xda: {  	_ =	strace $0x90000047  }
0xdb: {  	s0 =	stileid.u32;
	[bflag:$0x2] =	sbarrier.arrive $0xFFFF  }
0xdc: {  	p0 =	sne.s32 s0, $0x0;
	s0 =	rddreg [dreg:$0x2]  }
0xdd: {  	s0 =	sadd.s32 @!p0 $0x100000, s0  }
0xde: {  	[sflag:s0] =	ssyncadd.tile.s32 @!p0 $0x1;
	_ =	shalt  }
.Lfunc_end2:
_tile_overlayer_lowered:
.L_overlay_start_2:
0xdf: {  	(tag) =	ssettag $0x2  }
0xe0: {  	s0 =	rddreg [dreg:$0x0];
	s2 =	stileid.u32  }
0xe1: {  	s1 =	rddreg [dreg:$0x1];
	p0 =	sne.s32 s2, $0x0  }
0xe2: {  	s3 =	rddreg [dreg:$0x2];
	[bflag:$0x3] =	sbarrier.arrive $0xFFFF;
	s2 =	simm.s32 @!p0 $0x1C03  }
0xe3: {  	[timem:s3], [sflag:s2] =	dma.local @!p0 [hbm:s0], s1  }
0xe4: {  	s0 =	simm.s32 @!p0 $0x3  }
0xe5: {  	_ =	swait.ge @!p0 [sflag:s0], s1  }
0xe6: {  	s1 =	ssub.s32 @!p0 $0x0, s1;
	[sflag:s0] =	ssyncset.done @!p0 $0x0  }
0xe7: {  	[sflag:s0] =	ssyncadd.s32 @!p0 s1  }
0xe8: {  	[bflag:$0x3] =	sbarrier.arrive $0xFFFF  }
0xe9: {  	_ =	shalt  }

</sc_bundles>
